<compile_context>
chip_gen: v7x
topology: tpu7x:2x2x1
jax: 0.10.2.dev20260603
libtpu: 0.0.44.dev20260713+nightly
codegen_flags: <defaults>
</compile_context>

<pallas_src>
import functools

import jax
import jax.numpy as jnp
from jax import lax
from jax.experimental import pallas as pl
from jax.experimental.pallas import tpu as pltpu
from jax.experimental.pallas import tpu_sc as plsc

N_NODES = 10000
N_EDGES = 160000
D_FEAT = 256
H = 128
NC, NS = 2, 16
C = 128
PAD_E = 163840
EPT = PAD_E // NS
NCH = EPT // C
CCH = PAD_E // (NC * NS * C)
PAD_N = 10240
RPT = PAD_N // NS
RW = 128
NWB = RPT // RW
RB = 2000
EPS = 1e-5


def _sc_agg_kernel(h_flat, bsrc_hbm, dst_hbm, zeros_hbm, sum_flat,
                   acc, sv, da0, da1, rv0, rv1, sem0, sem1, semd0, semd1):
    c = lax.axis_index("c")
    s = lax.axis_index("s")
    base = s * RPT

    pltpu.sync_copy(zeros_hbm, rv0)
    for k in range(NWB):
        pltpu.sync_copy(rv0, acc.at[pl.ds(base + k * RW, RW)])

    pltpu.sync_copy(bsrc_hbm.at[pl.ds(c * PAD_E + s * EPT, EPT)], sv)
    plsc.subcore_barrier()

    def dst_start(j, da, semd):
        return pltpu.async_copy(dst_hbm.at[pl.ds((s * NCH + j) * C, C)], da, semd)

    def dst_wait(j, da, semd):
        pltpu.make_async_copy(dst_hbm.at[pl.ds((s * NCH + j) * C, C)], da,
                              semd).wait()

    def g_start(j, rv, sem):
        return pltpu.async_copy(h_flat.at[sv.at[pl.ds(j * C, C)]], rv, sem)

    def g_wait(j, rv, sem):
        pltpu.make_async_copy(h_flat.at[sv.at[pl.ds(j * C, C)]], rv, sem).wait()

    dst_start(0, da0, semd0)
    g_start(0, rv0, sem0)

    def pair(p, carry):
        j0 = 2 * p
        j1 = 2 * p + 1
        dst_start(j1, da1, semd1)
        g_start(j1, rv1, sem1)
        dst_wait(j0, da0, semd0)
        g_wait(j0, rv0, sem0)
        pltpu.sync_copy(rv0, acc.at[da0], add=True)

        @pl.when(p < NCH // 2 - 1)
        def _():
            dst_start(j0 + 2, da0, semd0)
            g_start(j0 + 2, rv0, sem0)

        dst_wait(j1, da1, semd1)
        g_wait(j1, rv1, sem1)
        pltpu.sync_copy(rv1, acc.at[da1], add=True)
        return carry

    lax.fori_loop(0, NCH // 2, pair, 0)
    plsc.subcore_barrier()

    for k in range(NWB):
        b = base + k * RW
        pltpu.sync_copy(acc.at[pl.ds(b, RW)],
                        sum_flat.at[pl.ds(c * PAD_N + b, RW)])


_sc_agg = pl.kernel(
    _sc_agg_kernel,
    out_type=jax.ShapeDtypeStruct((NC * PAD_N, H), jnp.float32),
    mesh=plsc.VectorSubcoreMesh(
        core_axis_name="c", subcore_axis_name="s", num_cores=NC, num_subcores=NS
    ),
    scratch_types=[
        pltpu.VMEM_SHARED((PAD_N, H), jnp.float32),
        pltpu.VMEM((EPT,), jnp.int32),
        pltpu.VMEM((C,), jnp.int32),
        pltpu.VMEM((C,), jnp.int32),
        pltpu.VMEM((C, H), jnp.float32),
        pltpu.VMEM((C, H), jnp.float32),
        pltpu.SemaphoreType.DMA,
        pltpu.SemaphoreType.DMA,
        pltpu.SemaphoreType.DMA,
        pltpu.SemaphoreType.DMA,
    ],
)


def _sc_cnt_kernel(dst_hbm, ones_hbm, zeros_hbm, cnt_out, cacc, dst_c, ones_v):
    c = lax.axis_index("c")
    s = lax.axis_index("s")
    w = c * NS + s
    base = s * RPT

    pltpu.sync_copy(zeros_hbm, ones_v)
    for k in range(NWB):
        pltpu.sync_copy(ones_v, cacc.at[pl.ds(base + k * RW, RW)])
    pltpu.sync_copy(ones_hbm, ones_v)
    plsc.subcore_barrier()

    def chunk(j, carry):
        pltpu.sync_copy(dst_hbm.at[pl.ds((w * CCH + j) * C, C)], dst_c)
        pltpu.sync_copy(ones_v, cacc.at[dst_c], add=True)
        return carry

    lax.fori_loop(0, CCH, chunk, 0)
    plsc.subcore_barrier()

    for k in range(NWB):
        b = base + k * RW
        pltpu.sync_copy(cacc.at[pl.ds(b, RW)],
                        cnt_out.at[pl.ds(c * PAD_N + b, RW)])


_sc_cnt = pl.kernel(
    _sc_cnt_kernel,
    out_type=jax.ShapeDtypeStruct((NC * PAD_N, H), jnp.float32),
    mesh=plsc.VectorSubcoreMesh(
        core_axis_name="c", subcore_axis_name="s", num_cores=NC, num_subcores=NS
    ),
    scratch_types=[
        pltpu.VMEM_SHARED((PAD_N, H), jnp.float32),
        pltpu.VMEM((C,), jnp.int32),
        pltpu.VMEM((C, H), jnp.float32),
    ],
)


def _dotT(a, w):
    return lax.dot_general(a, w, (((1,), (1,)), ((), ())),
                           preferred_element_type=jnp.float32)


def _lin1_kernel(x_ref, wl_ref, bl_ref, wr_ref, h_ref, xr_ref):
    x = x_ref[...]
    h = _dotT(x, wl_ref[...]) + bl_ref[...]
    h_ref[0] = h[:, :H]
    h_ref[1] = h[:, H:]
    xr_ref[...] = _dotT(x, wr_ref[...])


def _lin1(x, wl, bl, wr):
    return pl.pallas_call(
        _lin1_kernel,
        grid=(N_NODES // RB,),
        in_specs=[
            pl.BlockSpec((RB, D_FEAT), lambda i: (i, 0)),
            pl.BlockSpec((D_FEAT, D_FEAT), lambda i: (0, 0)),
            pl.BlockSpec((1, D_FEAT), lambda i: (0, 0)),
            pl.BlockSpec((D_FEAT, D_FEAT), lambda i: (0, 0)),
        ],
        out_specs=[
            pl.BlockSpec((NC, RB, H), lambda i: (0, i, 0)),
            pl.BlockSpec((RB, D_FEAT), lambda i: (i, 0)),
        ],
        out_shape=[
            jax.ShapeDtypeStruct((NC, N_NODES, H), jnp.float32),
            jax.ShapeDtypeStruct((N_NODES, D_FEAT), jnp.float32),
        ],
    )(x, wl, bl, wr)


def _mid_kernel(sum_ref, cnt_ref, xr_ref, t_ref, st_ref):
    i = pl.program_id(0)
    cnt = cnt_ref[0, :, 0:1] + cnt_ref[1, :, 0:1]
    inv = 1.0 / jnp.maximum(cnt, 1.0)
    agg = jnp.concatenate([sum_ref[0], sum_ref[1]], axis=1) * inv
    t = agg + xr_ref[...]
    t_ref[...] = t

    @pl.when(i == 0)
    def _():
        st_ref[...] = jnp.zeros_like(st_ref)

    st_ref[0:1, :] = st_ref[0:1, :] + jnp.sum(t, axis=0, keepdims=True)
    st_ref[1:2, :] = st_ref[1:2, :] + jnp.sum(t * t, axis=0, keepdims=True)


def _mid(sum_stk, cnt, xr):
    return pl.pallas_call(
        _mid_kernel,
        grid=(N_NODES // RB,),
        in_specs=[
            pl.BlockSpec((NC, RB, H), lambda i: (0, i, 0)),
            pl.BlockSpec((NC, RB, H), lambda i: (0, i, 0)),
            pl.BlockSpec((RB, D_FEAT), lambda i: (i, 0)),
        ],
        out_specs=[
            pl.BlockSpec((RB, D_FEAT), lambda i: (i, 0)),
            pl.BlockSpec((2, D_FEAT), lambda i: (0, 0)),
        ],
        out_shape=[
            jax.ShapeDtypeStruct((N_NODES, D_FEAT), jnp.float32),
            jax.ShapeDtypeStruct((2, D_FEAT), jnp.float32),
        ],
    )(sum_stk, cnt, xr)


def _bn_lin2_kernel(t_ref, st_ref, g_ref, be_ref, wl_ref, bl_ref, wr_ref,
                    h2_ref, x2r_ref):
    n = float(N_NODES)
    mean = st_ref[0:1, :] / n
    var = st_ref[1:2, :] / n - mean * mean
    u = (t_ref[...] - mean) * lax.rsqrt(var + EPS) * g_ref[...] + be_ref[...]
    u = jnp.maximum(u, 0.0)
    h2 = _dotT(u, wl_ref[...]) + bl_ref[...]
    h2_ref[0] = h2[:, :H]
    h2_ref[1] = h2[:, H:]
    x2r_ref[...] = _dotT(u, wr_ref[...])


def _bn_lin2(t, st, gamma, beta, wl, bl, wr):
    return pl.pallas_call(
        _bn_lin2_kernel,
        grid=(N_NODES // RB,),
        in_specs=[
            pl.BlockSpec((RB, D_FEAT), lambda i: (i, 0)),
            pl.BlockSpec((2, D_FEAT), lambda i: (0, 0)),
            pl.BlockSpec((1, D_FEAT), lambda i: (0, 0)),
            pl.BlockSpec((1, D_FEAT), lambda i: (0, 0)),
            pl.BlockSpec((D_FEAT, D_FEAT), lambda i: (0, 0)),
            pl.BlockSpec((1, D_FEAT), lambda i: (0, 0)),
            pl.BlockSpec((D_FEAT, D_FEAT), lambda i: (0, 0)),
        ],
        out_specs=[
            pl.BlockSpec((NC, RB, H), lambda i: (0, i, 0)),
            pl.BlockSpec((RB, D_FEAT), lambda i: (i, 0)),
        ],
        out_shape=[
            jax.ShapeDtypeStruct((NC, N_NODES, H), jnp.float32),
            jax.ShapeDtypeStruct((N_NODES, D_FEAT), jnp.float32),
        ],
    )(t, st, gamma, beta, wl, bl, wr)


def _out_kernel(sum_ref, cnt_ref, x2r_ref, o_ref):
    cnt = cnt_ref[0, :, 0:1] + cnt_ref[1, :, 0:1]
    inv = 1.0 / jnp.maximum(cnt, 1.0)
    agg = jnp.concatenate([sum_ref[0], sum_ref[1]], axis=1) * inv
    o_ref[...] = agg + x2r_ref[...]


def _out(sum_stk, cnt, x2r):
    return pl.pallas_call(
        _out_kernel,
        grid=(N_NODES // RB,),
        in_specs=[
            pl.BlockSpec((NC, RB, H), lambda i: (0, i, 0)),
            pl.BlockSpec((NC, RB, H), lambda i: (0, i, 0)),
            pl.BlockSpec((RB, D_FEAT), lambda i: (i, 0)),
        ],
        out_specs=pl.BlockSpec((RB, D_FEAT), lambda i: (i, 0)),
        out_shape=jax.ShapeDtypeStruct((N_NODES, D_FEAT), jnp.float32),
    )(sum_stk, cnt, x2r)


@jax.jit
def kernel(x, edge_index, W1l, b1l, W1r, bn_gamma, bn_beta, W2l, b2l, W2r):
    npad = PAD_E - N_EDGES
    src = jnp.concatenate(
        [edge_index[0].astype(jnp.int32), jnp.zeros((npad,), jnp.int32)])
    dst = jnp.concatenate(
        [edge_index[1].astype(jnp.int32),
         jnp.full((npad,), N_NODES, jnp.int32)])
    bsrc = jnp.concatenate([src, src + N_NODES])
    ones_in = jnp.ones((C, H), jnp.float32)
    zeros_in = jnp.zeros((C, H), jnp.float32)

    cnt = _sc_cnt(dst, ones_in, zeros_in).reshape(NC, PAD_N, H)
    h_stk, xr = _lin1(x, W1l, b1l.reshape(1, -1), W1r)
    sum_stk = _sc_agg(h_stk.reshape(NC * N_NODES, H), bsrc, dst, zeros_in)
    t, st = _mid(sum_stk.reshape(NC, PAD_N, H), cnt, xr)
    h2_stk, x2r = _bn_lin2(t, st, bn_gamma.reshape(1, -1), bn_beta.reshape(1, -1),
                           W2l, b2l.reshape(1, -1), W2r)
    sum2_stk = _sc_agg(h2_stk.reshape(NC * N_NODES, H), bsrc, dst, zeros_in)
    return _out(sum2_stk.reshape(NC, PAD_N, H), cnt, x2r)

# --- scband reference (transcript-rebuilt; emitter-appended) ---
"""Pipeline reference for scband-sage-21784074125531 (READ-ONLY COPY).

The authoritative reference and input builder live on the scoring server;
editing this copy changes nothing except your own understanding.
"""

import jax, jax.numpy as jnp
import numpy as np

N_NODES = 10000
N_EDGES = 160000
D_FEAT = 256
D_HID = 256


def setup_inputs(seed: int = 0) -> dict:
    key = jax.random.key(seed)
    ks = jax.random.split(key, 12)
    x = jax.random.normal(ks[0], (N_NODES, D_FEAT), dtype=jnp.float32)
    edge_index = jax.random.randint(ks[1], (2, N_EDGES), 0, N_NODES, dtype=jnp.int64)
    s1 = 1.0 / np.sqrt(D_FEAT)
    s2 = 1.0 / np.sqrt(D_HID)
    W1l = jax.random.uniform(ks[2], (D_HID, D_FEAT), jnp.float32, -s1, s1)
    b1l = jax.random.uniform(ks[3], (D_HID,), jnp.float32, -s1, s1)
    W1r = jax.random.uniform(ks[4], (D_HID, D_FEAT), jnp.float32, -s1, s1)
    bn_gamma = jnp.ones((D_HID,), jnp.float32)
    bn_beta = jnp.zeros((D_HID,), jnp.float32)
    W2l = jax.random.uniform(ks[5], (D_HID, D_HID), jnp.float32, -s2, s2)
    b2l = jax.random.uniform(ks[6], (D_HID,), jnp.float32, -s2, s2)
    W2r = jax.random.uniform(ks[7], (D_HID, D_HID), jnp.float32, -s2, s2)
    return {"x": x, "edge_index": edge_index, "W1l": W1l, "b1l": b1l, "W1r": W1r,
            "bn_gamma": bn_gamma, "bn_beta": bn_beta, "W2l": W2l, "b2l": b2l, "W2r": W2r}


def _sage_conv(x, edge_index, Wl, bl, Wr):
    # out = lin_l(x); out = mean-aggregate over edges; out += lin_r(x)
    h = x @ Wl.T + bl
    src = edge_index[0]
    dst = edge_index[1]
    msgs = jnp.take(h, src, axis=0)
    summed = jax.ops.segment_sum(msgs, dst, num_segments=x.shape[0])
    cnt = jax.ops.segment_sum(jnp.ones((edge_index.shape[1],), jnp.float32), dst,
                              num_segments=x.shape[0])
    agg = summed / jnp.clip(cnt, 1.0)[:, None]
    out = agg + x @ Wr.T
    return out


def _batch_norm(x, gamma, beta, eps=1e-5):
    mean = jnp.mean(x, axis=0)
    var = jnp.mean((x - mean) ** 2, axis=0)
    return (x - mean) / jnp.sqrt(var + eps) * gamma + beta


def reference(x, edge_index, W1l, b1l, W1r, bn_gamma, bn_beta, W2l, b2l, W2r):
    h = _sage_conv(x, edge_index, W1l, b1l, W1r)
    h = _batch_norm(h, bn_gamma, bn_beta)
    # dropout is identity in eval mode
    h = jax.nn.relu(h)
    out = _sage_conv(h, edge_index, W2l, b2l, W2r)
    return out

if __name__ == "__main__":
    import jax
    _d = setup_inputs()
    print(jax.jit(kernel)(*tuple(_d.values())))

</pallas_src>

<mosaic_0001>
#map = affine_map<(d0, d1) -> (0)>
#map1 = affine_map<(d0, d1) -> (0, 0)>
module attributes {stable_mosaic.version = 14 : i64} {
  func.func @_sc_cnt_kernel(%arg0: i32, %arg1: i32, %arg2: memref<163840xi32, #tpu.memory_space<hbm>>, %arg3: memref<128x128xf32, #tpu.memory_space<hbm>>, %arg4: memref<128x128xf32, #tpu.memory_space<hbm>>, %arg5: memref<20480x128xf32, #tpu.memory_space<hbm>>, %arg6: memref<10240x128xf32, #tpu.memory_space<vmem_shared>>, %arg7: memref<128xi32, #tpu.memory_space<vmem>>, %arg8: memref<128x128xf32, #tpu.memory_space<vmem>>) attributes {dimension_semantics = [#tpu.dimension_semantics<core_parallel>, #tpu.dimension_semantics<subcore_parallel>], iteration_bounds = array<i64: 2, 16>, scalar_prefetch = 0 : i64, scratch_operands = 3 : i64, tpu.core_type = #tpu.core_type<sc_vector_subcore>, window_params = [{transform_indices = #map}, {transform_indices = #map1}, {transform_indices = #map1}, {transform_indices = #map1}]} {
    %mul3A = arith.constant 16 : i32
    %mul3A_0 = arith.muli %arg0, %mul3A : i32
    %add3A = arith.addi %mul3A_0, %arg1 : i32
    %mul3A_1 = arith.constant 640 : i32
    %mul3A_2 = arith.muli %arg1, %mul3A_1 : i32
    "tpu.region"() ({
      %run_scoped3A = tpu.sem_alloc : memref<!tpu.dma_semaphore, #tpu.memory_space<semaphore_mem>>
      tpu.enqueue_dma source(%arg4 : memref<128x128xf32, #tpu.memory_space<hbm>>) target(%arg8 : memref<128x128xf32, #tpu.memory_space<vmem>>) target_semaphore(%run_scoped3A : memref<!tpu.dma_semaphore, #tpu.memory_space<semaphore_mem>>)
      tpu.wait_dma2 semaphore(%run_scoped3A : memref<!tpu.dma_semaphore, #tpu.memory_space<semaphore_mem>>) src(%arg4 : memref<128x128xf32, #tpu.memory_space<hbm>>) dst(%arg8 : memref<128x128xf32, #tpu.memory_space<vmem>>)
      tpu.yield
    }) : () -> ()
    %add3A_3 = arith.constant 0 : i32
    %add3A_4 = arith.addi %mul3A_2, %add3A_3 : i32
    "tpu.region"() ({
      %run_scoped3A = tpu.sem_alloc : memref<!tpu.dma_semaphore, #tpu.memory_space<semaphore_mem>>
      %dma_start3A = arith.constant 0 : i32
      %dma_start3A_44 = tpu.memref_slice %arg6[%add3A_4, %dma_start3A] : memref<10240x128xf32, #tpu.memory_space<vmem_shared>> -> memref<128x128xf32, #tpu.memory_space<vmem_shared>>
      %dma_start3A_45 = arith.constant 0 : i32
      %dma_start3A_46 = tpu.memref_slice %arg6[%add3A_4, %dma_start3A_45] : memref<10240x128xf32, #tpu.memory_space<vmem_shared>> -> memref<128x128xf32, #tpu.memory_space<vmem_shared>>
      tpu.enqueue_dma source(%arg8 : memref<128x128xf32, #tpu.memory_space<vmem>>) target(%dma_start3A_46 : memref<128x128xf32, #tpu.memory_space<vmem_shared>>) target_semaphore(%run_scoped3A : memref<!tpu.dma_semaphore, #tpu.memory_space<semaphore_mem>>)
      %dma_wait3A = arith.constant 0 : i32
      %dma_wait3A_47 = tpu.memref_slice %arg6[%add3A_4, %dma_wait3A] : memref<10240x128xf32, #tpu.memory_space<vmem_shared>> -> memref<128x128xf32, #tpu.memory_space<vmem_shared>>
      %dma_wait3A_48 = arith.constant 0 : i32
      %dma_wait3A_49 = tpu.memref_slice %arg6[%add3A_4, %dma_wait3A_48] : memref<10240x128xf32, #tpu.memory_space<vmem_shared>> -> memref<128x128xf32, #tpu.memory_space<vmem_shared>>
      tpu.wait_dma2 semaphore(%run_scoped3A : memref<!tpu.dma_semaphore, #tpu.memory_space<semaphore_mem>>) src(%arg8 : memref<128x128xf32, #tpu.memory_space<vmem>>) dst(%dma_wait3A_49 : memref<128x128xf32, #tpu.memory_space<vmem_shared>>)
      tpu.yield
    }) : () -> ()
    %add3A_5 = arith.constant 128 : i32
    %add3A_6 = arith.addi %mul3A_2, %add3A_5 : i32
    "tpu.region"() ({
      %run_scoped3A = tpu.sem_alloc : memref<!tpu.dma_semaphore, #tpu.memory_space<semaphore_mem>>
      %dma_start3A = arith.constant 0 : i32
      %dma_start3A_44 = tpu.memref_slice %arg6[%add3A_6, %dma_start3A] : memref<10240x128xf32, #tpu.memory_space<vmem_shared>> -> memref<128x128xf32, #tpu.memory_space<vmem_shared>>
      %dma_start3A_45 = arith.constant 0 : i32
      %dma_start3A_46 = tpu.memref_slice %arg6[%add3A_6, %dma_start3A_45] : memref<10240x128xf32, #tpu.memory_space<vmem_shared>> -> memref<128x128xf32, #tpu.memory_space<vmem_shared>>
      tpu.enqueue_dma source(%arg8 : memref<128x128xf32, #tpu.memory_space<vmem>>) target(%dma_start3A_46 : memref<128x128xf32, #tpu.memory_space<vmem_shared>>) target_semaphore(%run_scoped3A : memref<!tpu.dma_semaphore, #tpu.memory_space<semaphore_mem>>)
      %dma_wait3A = arith.constant 0 : i32
      %dma_wait3A_47 = tpu.memref_slice %arg6[%add3A_6, %dma_wait3A] : memref<10240x128xf32, #tpu.memory_space<vmem_shared>> -> memref<128x128xf32, #tpu.memory_space<vmem_shared>>
      %dma_wait3A_48 = arith.constant 0 : i32
      %dma_wait3A_49 = tpu.memref_slice %arg6[%add3A_6, %dma_wait3A_48] : memref<10240x128xf32, #tpu.memory_space<vmem_shared>> -> memref<128x128xf32, #tpu.memory_space<vmem_shared>>
      tpu.wait_dma2 semaphore(%run_scoped3A : memref<!tpu.dma_semaphore, #tpu.memory_space<semaphore_mem>>) src(%arg8 : memref<128x128xf32, #tpu.memory_space<vmem>>) dst(%dma_wait3A_49 : memref<128x128xf32, #tpu.memory_space<vmem_shared>>)
      tpu.yield
    }) : () -> ()
    %add3A_7 = arith.constant 256 : i32
    %add3A_8 = arith.addi %mul3A_2, %add3A_7 : i32
    "tpu.region"() ({
      %run_scoped3A = tpu.sem_alloc : memref<!tpu.dma_semaphore, #tpu.memory_space<semaphore_mem>>
      %dma_start3A = arith.constant 0 : i32
      %dma_start3A_44 = tpu.memref_slice %arg6[%add3A_8, %dma_start3A] : memref<10240x128xf32, #tpu.memory_space<vmem_shared>> -> memref<128x128xf32, #tpu.memory_space<vmem_shared>>
      %dma_start3A_45 = arith.constant 0 : i32
      %dma_start3A_46 = tpu.memref_slice %arg6[%add3A_8, %dma_start3A_45] : memref<10240x128xf32, #tpu.memory_space<vmem_shared>> -> memref<128x128xf32, #tpu.memory_space<vmem_shared>>
      tpu.enqueue_dma source(%arg8 : memref<128x128xf32, #tpu.memory_space<vmem>>) target(%dma_start3A_46 : memref<128x128xf32, #tpu.memory_space<vmem_shared>>) target_semaphore(%run_scoped3A : memref<!tpu.dma_semaphore, #tpu.memory_space<semaphore_mem>>)
      %dma_wait3A = arith.constant 0 : i32
      %dma_wait3A_47 = tpu.memref_slice %arg6[%add3A_8, %dma_wait3A] : memref<10240x128xf32, #tpu.memory_space<vmem_shared>> -> memref<128x128xf32, #tpu.memory_space<vmem_shared>>
      %dma_wait3A_48 = arith.constant 0 : i32
      %dma_wait3A_49 = tpu.memref_slice %arg6[%add3A_8, %dma_wait3A_48] : memref<10240x128xf32, #tpu.memory_space<vmem_shared>> -> memref<128x128xf32, #tpu.memory_space<vmem_shared>>
      tpu.wait_dma2 semaphore(%run_scoped3A : memref<!tpu.dma_semaphore, #tpu.memory_space<semaphore_mem>>) src(%arg8 : memref<128x128xf32, #tpu.memory_space<vmem>>) dst(%dma_wait3A_49 : memref<128x128xf32, #tpu.memory_space<vmem_shared>>)
      tpu.yield
    }) : () -> ()
    %add3A_9 = arith.constant 384 : i32
    %add3A_10 = arith.addi %mul3A_2, %add3A_9 : i32
    "tpu.region"() ({
      %run_scoped3A = tpu.sem_alloc : memref<!tpu.dma_semaphore, #tpu.memory_space<semaphore_mem>>
      %dma_start3A = arith.constant 0 : i32
      %dma_start3A_44 = tpu.memref_slice %arg6[%add3A_10, %dma_start3A] : memref<10240x128xf32, #tpu.memory_space<vmem_shared>> -> memref<128x128xf32, #tpu.memory_space<vmem_shared>>
      %dma_start3A_45 = arith.constant 0 : i32
      %dma_start3A_46 = tpu.memref_slice %arg6[%add3A_10, %dma_start3A_45] : memref<10240x128xf32, #tpu.memory_space<vmem_shared>> -> memref<128x128xf32, #tpu.memory_space<vmem_shared>>
      tpu.enqueue_dma source(%arg8 : memref<128x128xf32, #tpu.memory_space<vmem>>) target(%dma_start3A_46 : memref<128x128xf32, #tpu.memory_space<vmem_shared>>) target_semaphore(%run_scoped3A : memref<!tpu.dma_semaphore, #tpu.memory_space<semaphore_mem>>)
      %dma_wait3A = arith.constant 0 : i32
      %dma_wait3A_47 = tpu.memref_slice %arg6[%add3A_10, %dma_wait3A] : memref<10240x128xf32, #tpu.memory_space<vmem_shared>> -> memref<128x128xf32, #tpu.memory_space<vmem_shared>>
      %dma_wait3A_48 = arith.constant 0 : i32
      %dma_wait3A_49 = tpu.memref_slice %arg6[%add3A_10, %dma_wait3A_48] : memref<10240x128xf32, #tpu.memory_space<vmem_shared>> -> memref<128x128xf32, #tpu.memory_space<vmem_shared>>
      tpu.wait_dma2 semaphore(%run_scoped3A : memref<!tpu.dma_semaphore, #tpu.memory_space<semaphore_mem>>) src(%arg8 : memref<128x128xf32, #tpu.memory_space<vmem>>) dst(%dma_wait3A_49 : memref<128x128xf32, #tpu.memory_space<vmem_shared>>)
      tpu.yield
    }) : () -> ()
    %add3A_11 = arith.constant 512 : i32
    %add3A_12 = arith.addi %mul3A_2, %add3A_11 : i32
    "tpu.region"() ({
      %run_scoped3A = tpu.sem_alloc : memref<!tpu.dma_semaphore, #tpu.memory_space<semaphore_mem>>
      %dma_start3A = arith.constant 0 : i32
      %dma_start3A_44 = tpu.memref_slice %arg6[%add3A_12, %dma_start3A] : memref<10240x128xf32, #tpu.memory_space<vmem_shared>> -> memref<128x128xf32, #tpu.memory_space<vmem_shared>>
      %dma_start3A_45 = arith.constant 0 : i32
      %dma_start3A_46 = tpu.memref_slice %arg6[%add3A_12, %dma_start3A_45] : memref<10240x128xf32, #tpu.memory_space<vmem_shared>> -> memref<128x128xf32, #tpu.memory_space<vmem_shared>>
      tpu.enqueue_dma source(%arg8 : memref<128x128xf32, #tpu.memory_space<vmem>>) target(%dma_start3A_46 : memref<128x128xf32, #tpu.memory_space<vmem_shared>>) target_semaphore(%run_scoped3A : memref<!tpu.dma_semaphore, #tpu.memory_space<semaphore_mem>>)
      %dma_wait3A = arith.constant 0 : i32
      %dma_wait3A_47 = tpu.memref_slice %arg6[%add3A_12, %dma_wait3A] : memref<10240x128xf32, #tpu.memory_space<vmem_shared>> -> memref<128x128xf32, #tpu.memory_space<vmem_shared>>
      %dma_wait3A_48 = arith.constant 0 : i32
      %dma_wait3A_49 = tpu.memref_slice %arg6[%add3A_12, %dma_wait3A_48] : memref<10240x128xf32, #tpu.memory_space<vmem_shared>> -> memref<128x128xf32, #tpu.memory_space<vmem_shared>>
      tpu.wait_dma2 semaphore(%run_scoped3A : memref<!tpu.dma_semaphore, #tpu.memory_space<semaphore_mem>>) src(%arg8 : memref<128x128xf32, #tpu.memory_space<vmem>>) dst(%dma_wait3A_49 : memref<128x128xf32, #tpu.memory_space<vmem_shared>>)
      tpu.yield
    }) : () -> ()
    "tpu.region"() ({
      %run_scoped3A = tpu.sem_alloc : memref<!tpu.dma_semaphore, #tpu.memory_space<semaphore_mem>>
      tpu.enqueue_dma source(%arg3 : memref<128x128xf32, #tpu.memory_space<hbm>>) target(%arg8 : memref<128x128xf32, #tpu.memory_space<vmem>>) target_semaphore(%run_scoped3A : memref<!tpu.dma_semaphore, #tpu.memory_space<semaphore_mem>>)
      tpu.wait_dma2 semaphore(%run_scoped3A : memref<!tpu.dma_semaphore, #tpu.memory_space<semaphore_mem>>) src(%arg3 : memref<128x128xf32, #tpu.memory_space<hbm>>) dst(%arg8 : memref<128x128xf32, #tpu.memory_space<vmem>>)
      tpu.yield
    }) : () -> ()
    %barrier3A = arith.constant 0 : index
    tpu.barrier barrier_id(%barrier3A)
    %scan3A = arith.constant 0 : i32
    %scan3A_13 = arith.constant 0 : i32
    %scan3A_14 = arith.constant 40 : i32
    %scan3A_15 = arith.addi %scan3A_13, %scan3A_14 : i32
    %scan3A_16 = arith.constant 1 : i32
    scf.for %scan3A_44 = %scan3A_13 to %scan3A_15 step %scan3A_16  : i32 {
      %mul3A_45 = arith.constant 40 : i32
      %mul3A_46 = arith.muli %add3A, %mul3A_45 : i32
      %add3A_47 = arith.addi %mul3A_46, %scan3A_44 : i32
      %mul3A_48 = arith.constant 128 : i32
      %mul3A_49 = arith.muli %add3A_47, %mul3A_48 : i32
      "tpu.region"() ({
        %run_scoped3A = tpu.sem_alloc : memref<!tpu.dma_semaphore, #tpu.memory_space<semaphore_mem>>
        %dma_start3A = tpu.memref_slice %arg2[%mul3A_49] : memref<163840xi32, #tpu.memory_space<hbm>> -> memref<128xi32, #tpu.memory_space<hbm>>
        %dma_start3A_50 = tpu.memref_slice %arg2[%mul3A_49] : memref<163840xi32, #tpu.memory_space<hbm>> -> memref<128xi32, #tpu.memory_space<hbm>>
        tpu.enqueue_dma source(%dma_start3A_50 : memref<128xi32, #tpu.memory_space<hbm>>) target(%arg7 : memref<128xi32, #tpu.memory_space<vmem>>) target_semaphore(%run_scoped3A : memref<!tpu.dma_semaphore, #tpu.memory_space<semaphore_mem>>)
        %dma_wait3A = tpu.memref_slice %arg2[%mul3A_49] : memref<163840xi32, #tpu.memory_space<hbm>> -> memref<128xi32, #tpu.memory_space<hbm>>
        %dma_wait3A_51 = tpu.memref_slice %arg2[%mul3A_49] : memref<163840xi32, #tpu.memory_space<hbm>> -> memref<128xi32, #tpu.memory_space<hbm>>
        tpu.wait_dma2 semaphore(%run_scoped3A : memref<!tpu.dma_semaphore, #tpu.memory_space<semaphore_mem>>) src(%dma_wait3A_51 : memref<128xi32, #tpu.memory_space<hbm>>) dst(%arg7 : memref<128xi32, #tpu.memory_space<vmem>>)
        tpu.yield
      }) : () -> ()
      "tpu.region"() ({
        %run_scoped3A = tpu.sem_alloc : memref<!tpu.dma_semaphore, #tpu.memory_space<semaphore_mem>>
        %dma_start3A = arith.constant 0 : i32
        %dma_start3A_50 = arith.constant 0 : i32
        %dma_start3A_51 = tpu.memref_slice %arg6[%dma_start3A, %dma_start3A_50] : memref<10240x128xf32, #tpu.memory_space<vmem_shared>> -> memref<10240x128xf32, #tpu.memory_space<vmem_shared>>
        tpu.enqueue_indirect_dma source(%arg8 : memref<128x128xf32, #tpu.memory_space<vmem>>) target(%dma_start3A_51 : memref<10240x128xf32, #tpu.memory_space<vmem_shared>>) offsets(%arg7 : memref<128xi32, #tpu.memory_space<vmem>>) semaphore(%run_scoped3A : memref<!tpu.dma_semaphore, #tpu.memory_space<semaphore_mem>>) {add = true}
        %dma_wait3A = arith.constant 0 : i32
        %dma_wait3A_52 = arith.constant 0 : i32
        %dma_wait3A_53 = tpu.memref_slice %arg6[%dma_wait3A, %dma_wait3A_52] : memref<10240x128xf32, #tpu.memory_space<vmem_shared>> -> memref<10240x128xf32, #tpu.memory_space<vmem_shared>>
        tpu.wait_indirect_dma semaphore(%run_scoped3A : memref<!tpu.dma_semaphore, #tpu.memory_space<semaphore_mem>>) src(%arg8 : memref<128x128xf32, #tpu.memory_space<vmem>>) dst(%dma_wait3A_53 : memref<10240x128xf32, #tpu.memory_space<vmem_shared>>)
        tpu.yield
      }) : () -> ()
    }
    %scan3A_17 = arith.constant 40 : i32
    %barrier3A_18 = arith.constant 0 : index
    tpu.barrier barrier_id(%barrier3A_18)
    %add3A_19 = arith.constant 0 : i32
    %add3A_20 = arith.addi %mul3A_2, %add3A_19 : i32
    %mul3A_21 = arith.constant 10240 : i32
    %mul3A_22 = arith.muli %arg0, %mul3A_21 : i32
    %add3A_23 = arith.addi %mul3A_22, %add3A_20 : i32
    "tpu.region"() ({
      %run_scoped3A = tpu.sem_alloc : memref<!tpu.dma_semaphore, #tpu.memory_space<semaphore_mem>>
      %dma_start3A = arith.constant 0 : i32
      %dma_start3A_44 = tpu.memref_slice %arg5[%add3A_23, %dma_start3A] : memref<20480x128xf32, #tpu.memory_space<hbm>> -> memref<128x128xf32, #tpu.memory_space<hbm>>
      %dma_start3A_45 = arith.constant 0 : i32
      %dma_start3A_46 = tpu.memref_slice %arg6[%add3A_20, %dma_start3A_45] : memref<10240x128xf32, #tpu.memory_space<vmem_shared>> -> memref<128x128xf32, #tpu.memory_space<vmem_shared>>
      tpu.enqueue_dma source(%dma_start3A_46 : memref<128x128xf32, #tpu.memory_space<vmem_shared>>) target(%dma_start3A_44 : memref<128x128xf32, #tpu.memory_space<hbm>>) target_semaphore(%run_scoped3A : memref<!tpu.dma_semaphore, #tpu.memory_space<semaphore_mem>>)
      %dma_wait3A = arith.constant 0 : i32
      %dma_wait3A_47 = tpu.memref_slice %arg5[%add3A_23, %dma_wait3A] : memref<20480x128xf32, #tpu.memory_space<hbm>> -> memref<128x128xf32, #tpu.memory_space<hbm>>
      %dma_wait3A_48 = arith.constant 0 : i32
      %dma_wait3A_49 = tpu.memref_slice %arg6[%add3A_20, %dma_wait3A_48] : memref<10240x128xf32, #tpu.memory_space<vmem_shared>> -> memref<128x128xf32, #tpu.memory_space<vmem_shared>>
      tpu.wait_dma2 semaphore(%run_scoped3A : memref<!tpu.dma_semaphore, #tpu.memory_space<semaphore_mem>>) src(%dma_wait3A_49 : memref<128x128xf32, #tpu.memory_space<vmem_shared>>) dst(%dma_wait3A_47 : memref<128x128xf32, #tpu.memory_space<hbm>>)
      tpu.yield
    }) : () -> ()
    %add3A_24 = arith.constant 128 : i32
    %add3A_25 = arith.addi %mul3A_2, %add3A_24 : i32
    %mul3A_26 = arith.constant 10240 : i32
    %mul3A_27 = arith.muli %arg0, %mul3A_26 : i32
    %add3A_28 = arith.addi %mul3A_27, %add3A_25 : i32
    "tpu.region"() ({
      %run_scoped3A = tpu.sem_alloc : memref<!tpu.dma_semaphore, #tpu.memory_space<semaphore_mem>>
      %dma_start3A = arith.constant 0 : i32
      %dma_start3A_44 = tpu.memref_slice %arg5[%add3A_28, %dma_start3A] : memref<20480x128xf32, #tpu.memory_space<hbm>> -> memref<128x128xf32, #tpu.memory_space<hbm>>
      %dma_start3A_45 = arith.constant 0 : i32
      %dma_start3A_46 = tpu.memref_slice %arg6[%add3A_25, %dma_start3A_45] : memref<10240x128xf32, #tpu.memory_space<vmem_shared>> -> memref<128x128xf32, #tpu.memory_space<vmem_shared>>
      tpu.enqueue_dma source(%dma_start3A_46 : memref<128x128xf32, #tpu.memory_space<vmem_shared>>) target(%dma_start3A_44 : memref<128x128xf32, #tpu.memory_space<hbm>>) target_semaphore(%run_scoped3A : memref<!tpu.dma_semaphore, #tpu.memory_space<semaphore_mem>>)
      %dma_wait3A = arith.constant 0 : i32
      %dma_wait3A_47 = tpu.memref_slice %arg5[%add3A_28, %dma_wait3A] : memref<20480x128xf32, #tpu.memory_space<hbm>> -> memref<128x128xf32, #tpu.memory_space<hbm>>
      %dma_wait3A_48 = arith.constant 0 : i32
      %dma_wait3A_49 = tpu.memref_slice %arg6[%add3A_25, %dma_wait3A_48] : memref<10240x128xf32, #tpu.memory_space<vmem_shared>> -> memref<128x128xf32, #tpu.memory_space<vmem_shared>>
      tpu.wait_dma2 semaphore(%run_scoped3A : memref<!tpu.dma_semaphore, #tpu.memory_space<semaphore_mem>>) src(%dma_wait3A_49 : memref<128x128xf32, #tpu.memory_space<vmem_shared>>) dst(%dma_wait3A_47 : memref<128x128xf32, #tpu.memory_space<hbm>>)
      tpu.yield
    }) : () -> ()
    %add3A_29 = arith.constant 256 : i32
    %add3A_30 = arith.addi %mul3A_2, %add3A_29 : i32
    %mul3A_31 = arith.constant 10240 : i32
    %mul3A_32 = arith.muli %arg0, %mul3A_31 : i32
    %add3A_33 = arith.addi %mul3A_32, %add3A_30 : i32
    "tpu.region"() ({
      %run_scoped3A = tpu.sem_alloc : memref<!tpu.dma_semaphore, #tpu.memory_space<semaphore_mem>>
      %dma_start3A = arith.constant 0 : i32
      %dma_start3A_44 = tpu.memref_slice %arg5[%add3A_33, %dma_start3A] : memref<20480x128xf32, #tpu.memory_space<hbm>> -> memref<128x128xf32, #tpu.memory_space<hbm>>
      %dma_start3A_45 = arith.constant 0 : i32
      %dma_start3A_46 = tpu.memref_slice %arg6[%add3A_30, %dma_start3A_45] : memref<10240x128xf32, #tpu.memory_space<vmem_shared>> -> memref<128x128xf32, #tpu.memory_space<vmem_shared>>
      tpu.enqueue_dma source(%dma_start3A_46 : memref<128x128xf32, #tpu.memory_space<vmem_shared>>) target(%dma_start3A_44 : memref<128x128xf32, #tpu.memory_space<hbm>>) target_semaphore(%run_scoped3A : memref<!tpu.dma_semaphore, #tpu.memory_space<semaphore_mem>>)
      %dma_wait3A = arith.constant 0 : i32
      %dma_wait3A_47 = tpu.memref_slice %arg5[%add3A_33, %dma_wait3A] : memref<20480x128xf32, #tpu.memory_space<hbm>> -> memref<128x128xf32, #tpu.memory_space<hbm>>
      %dma_wait3A_48 = arith.constant 0 : i32
      %dma_wait3A_49 = tpu.memref_slice %arg6[%add3A_30, %dma_wait3A_48] : memref<10240x128xf32, #tpu.memory_space<vmem_shared>> -> memref<128x128xf32, #tpu.memory_space<vmem_shared>>
      tpu.wait_dma2 semaphore(%run_scoped3A : memref<!tpu.dma_semaphore, #tpu.memory_space<semaphore_mem>>) src(%dma_wait3A_49 : memref<128x128xf32, #tpu.memory_space<vmem_shared>>) dst(%dma_wait3A_47 : memref<128x128xf32, #tpu.memory_space<hbm>>)
      tpu.yield
    }) : () -> ()
    %add3A_34 = arith.constant 384 : i32
    %add3A_35 = arith.addi %mul3A_2, %add3A_34 : i32
    %mul3A_36 = arith.constant 10240 : i32
    %mul3A_37 = arith.muli %arg0, %mul3A_36 : i32
    %add3A_38 = arith.addi %mul3A_37, %add3A_35 : i32
    "tpu.region"() ({
      %run_scoped3A = tpu.sem_alloc : memref<!tpu.dma_semaphore, #tpu.memory_space<semaphore_mem>>
      %dma_start3A = arith.constant 0 : i32
      %dma_start3A_44 = tpu.memref_slice %arg5[%add3A_38, %dma_start3A] : memref<20480x128xf32, #tpu.memory_space<hbm>> -> memref<128x128xf32, #tpu.memory_space<hbm>>
      %dma_start3A_45 = arith.constant 0 : i32
      %dma_start3A_46 = tpu.memref_slice %arg6[%add3A_35, %dma_start3A_45] : memref<10240x128xf32, #tpu.memory_space<vmem_shared>> -> memref<128x128xf32, #tpu.memory_space<vmem_shared>>
      tpu.enqueue_dma source(%dma_start3A_46 : memref<128x128xf32, #tpu.memory_space<vmem_shared>>) target(%dma_start3A_44 : memref<128x128xf32, #tpu.memory_space<hbm>>) target_semaphore(%run_scoped3A : memref<!tpu.dma_semaphore, #tpu.memory_space<semaphore_mem>>)
      %dma_wait3A = arith.constant 0 : i32
      %dma_wait3A_47 = tpu.memref_slice %arg5[%add3A_38, %dma_wait3A] : memref<20480x128xf32, #tpu.memory_space<hbm>> -> memref<128x128xf32, #tpu.memory_space<hbm>>
      %dma_wait3A_48 = arith.constant 0 : i32
      %dma_wait3A_49 = tpu.memref_slice %arg6[%add3A_35, %dma_wait3A_48] : memref<10240x128xf32, #tpu.memory_space<vmem_shared>> -> memref<128x128xf32, #tpu.memory_space<vmem_shared>>
      tpu.wait_dma2 semaphore(%run_scoped3A : memref<!tpu.dma_semaphore, #tpu.memory_space<semaphore_mem>>) src(%dma_wait3A_49 : memref<128x128xf32, #tpu.memory_space<vmem_shared>>) dst(%dma_wait3A_47 : memref<128x128xf32, #tpu.memory_space<hbm>>)
      tpu.yield
    }) : () -> ()
    %add3A_39 = arith.constant 512 : i32
    %add3A_40 = arith.addi %mul3A_2, %add3A_39 : i32
    %mul3A_41 = arith.constant 10240 : i32
    %mul3A_42 = arith.muli %arg0, %mul3A_41 : i32
    %add3A_43 = arith.addi %mul3A_42, %add3A_40 : i32
    "tpu.region"() ({
      %run_scoped3A = tpu.sem_alloc : memref<!tpu.dma_semaphore, #tpu.memory_space<semaphore_mem>>
      %dma_start3A = arith.constant 0 : i32
      %dma_start3A_44 = tpu.memref_slice %arg5[%add3A_43, %dma_start3A] : memref<20480x128xf32, #tpu.memory_space<hbm>> -> memref<128x128xf32, #tpu.memory_space<hbm>>
      %dma_start3A_45 = arith.constant 0 : i32
      %dma_start3A_46 = tpu.memref_slice %arg6[%add3A_40, %dma_start3A_45] : memref<10240x128xf32, #tpu.memory_space<vmem_shared>> -> memref<128x128xf32, #tpu.memory_space<vmem_shared>>
      tpu.enqueue_dma source(%dma_start3A_46 : memref<128x128xf32, #tpu.memory_space<vmem_shared>>) target(%dma_start3A_44 : memref<128x128xf32, #tpu.memory_space<hbm>>) target_semaphore(%run_scoped3A : memref<!tpu.dma_semaphore, #tpu.memory_space<semaphore_mem>>)
      %dma_wait3A = arith.constant 0 : i32
      %dma_wait3A_47 = tpu.memref_slice %arg5[%add3A_43, %dma_wait3A] : memref<20480x128xf32, #tpu.memory_space<hbm>> -> memref<128x128xf32, #tpu.memory_space<hbm>>
      %dma_wait3A_48 = arith.constant 0 : i32
      %dma_wait3A_49 = tpu.memref_slice %arg6[%add3A_40, %dma_wait3A_48] : memref<10240x128xf32, #tpu.memory_space<vmem_shared>> -> memref<128x128xf32, #tpu.memory_space<vmem_shared>>
      tpu.wait_dma2 semaphore(%run_scoped3A : memref<!tpu.dma_semaphore, #tpu.memory_space<semaphore_mem>>) src(%dma_wait3A_49 : memref<128x128xf32, #tpu.memory_space<vmem_shared>>) dst(%dma_wait3A_47 : memref<128x128xf32, #tpu.memory_space<hbm>>)
      tpu.yield
    }) : () -> ()
    return
  }
}

#map = affine_map<(d0, d1) -> (0, 0)>
#map1 = affine_map<(d0, d1) -> (0)>
module attributes {stable_mosaic.version = 14 : i64} {
  func.func @_sc_agg_kernel(%arg0: i32, %arg1: i32, %arg2: memref<20000x128xf32, #tpu.memory_space<hbm>>, %arg3: memref<327680xi32, #tpu.memory_space<hbm>>, %arg4: memref<163840xi32, #tpu.memory_space<hbm>>, %arg5: memref<128x128xf32, #tpu.memory_space<hbm>>, %arg6: memref<20480x128xf32, #tpu.memory_space<hbm>>, %arg7: memref<10240x128xf32, #tpu.memory_space<vmem_shared>>, %arg8: memref<10240xi32, #tpu.memory_space<vmem>>, %arg9: memref<128xi32, #tpu.memory_space<vmem>>, %arg10: memref<128xi32, #tpu.memory_space<vmem>>, %arg11: memref<128x128xf32, #tpu.memory_space<vmem>>, %arg12: memref<128x128xf32, #tpu.memory_space<vmem>>, %arg13: memref<!tpu.dma_semaphore, #tpu.memory_space<semaphore_mem>>, %arg14: memref<!tpu.dma_semaphore, #tpu.memory_space<semaphore_mem>>, %arg15: memref<!tpu.dma_semaphore, #tpu.memory_space<semaphore_mem>>, %arg16: memref<!tpu.dma_semaphore, #tpu.memory_space<semaphore_mem>>) attributes {dimension_semantics = [#tpu.dimension_semantics<core_parallel>, #tpu.dimension_semantics<subcore_parallel>], iteration_bounds = array<i64: 2, 16>, scalar_prefetch = 0 : i64, scratch_operands = 10 : i64, tpu.core_type = #tpu.core_type<sc_vector_subcore>, window_params = [{transform_indices = #map}, {transform_indices = #map1}, {transform_indices = #map1}, {transform_indices = #map}, {transform_indices = #map}]} {
    %mul3A = arith.constant 640 : i32
    %mul3A_0 = arith.muli %arg1, %mul3A : i32
    "tpu.region"() ({
      %run_scoped3A = tpu.sem_alloc : memref<!tpu.dma_semaphore, #tpu.memory_space<semaphore_mem>>
      tpu.enqueue_dma source(%arg5 : memref<128x128xf32, #tpu.memory_space<hbm>>) target(%arg11 : memref<128x128xf32, #tpu.memory_space<vmem>>) target_semaphore(%run_scoped3A : memref<!tpu.dma_semaphore, #tpu.memory_space<semaphore_mem>>)
      tpu.wait_dma2 semaphore(%run_scoped3A : memref<!tpu.dma_semaphore, #tpu.memory_space<semaphore_mem>>) src(%arg5 : memref<128x128xf32, #tpu.memory_space<hbm>>) dst(%arg11 : memref<128x128xf32, #tpu.memory_space<vmem>>)
      tpu.yield
    }) : () -> ()
    %add3A = arith.constant 0 : i32
    %add3A_1 = arith.addi %mul3A_0, %add3A : i32
    "tpu.region"() ({
      %run_scoped3A = tpu.sem_alloc : memref<!tpu.dma_semaphore, #tpu.memory_space<semaphore_mem>>
      %dma_start3A_58 = arith.constant 0 : i32
      %dma_start3A_59 = tpu.memref_slice %arg7[%add3A_1, %dma_start3A_58] : memref<10240x128xf32, #tpu.memory_space<vmem_shared>> -> memref<128x128xf32, #tpu.memory_space<vmem_shared>>
      %dma_start3A_60 = arith.constant 0 : i32
      %dma_start3A_61 = tpu.memref_slice %arg7[%add3A_1, %dma_start3A_60] : memref<10240x128xf32, #tpu.memory_space<vmem_shared>> -> memref<128x128xf32, #tpu.memory_space<vmem_shared>>
      tpu.enqueue_dma source(%arg11 : memref<128x128xf32, #tpu.memory_space<vmem>>) target(%dma_start3A_61 : memref<128x128xf32, #tpu.memory_space<vmem_shared>>) target_semaphore(%run_scoped3A : memref<!tpu.dma_semaphore, #tpu.memory_space<semaphore_mem>>)
      %dma_wait3A = arith.constant 0 : i32
      %dma_wait3A_62 = tpu.memref_slice %arg7[%add3A_1, %dma_wait3A] : memref<10240x128xf32, #tpu.memory_space<vmem_shared>> -> memref<128x128xf32, #tpu.memory_space<vmem_shared>>
      %dma_wait3A_63 = arith.constant 0 : i32
      %dma_wait3A_64 = tpu.memref_slice %arg7[%add3A_1, %dma_wait3A_63] : memref<10240x128xf32, #tpu.memory_space<vmem_shared>> -> memref<128x128xf32, #tpu.memory_space<vmem_shared>>
      tpu.wait_dma2 semaphore(%run_scoped3A : memref<!tpu.dma_semaphore, #tpu.memory_space<semaphore_mem>>) src(%arg11 : memref<128x128xf32, #tpu.memory_space<vmem>>) dst(%dma_wait3A_64 : memref<128x128xf32, #tpu.memory_space<vmem_shared>>)
      tpu.yield
    }) : () -> ()
    %add3A_2 = arith.constant 128 : i32
    %add3A_3 = arith.addi %mul3A_0, %add3A_2 : i32
    "tpu.region"() ({
      %run_scoped3A = tpu.sem_alloc : memref<!tpu.dma_semaphore, #tpu.memory_space<semaphore_mem>>
      %dma_start3A_58 = arith.constant 0 : i32
      %dma_start3A_59 = tpu.memref_slice %arg7[%add3A_3, %dma_start3A_58] : memref<10240x128xf32, #tpu.memory_space<vmem_shared>> -> memref<128x128xf32, #tpu.memory_space<vmem_shared>>
      %dma_start3A_60 = arith.constant 0 : i32
      %dma_start3A_61 = tpu.memref_slice %arg7[%add3A_3, %dma_start3A_60] : memref<10240x128xf32, #tpu.memory_space<vmem_shared>> -> memref<128x128xf32, #tpu.memory_space<vmem_shared>>
      tpu.enqueue_dma source(%arg11 : memref<128x128xf32, #tpu.memory_space<vmem>>) target(%dma_start3A_61 : memref<128x128xf32, #tpu.memory_space<vmem_shared>>) target_semaphore(%run_scoped3A : memref<!tpu.dma_semaphore, #tpu.memory_space<semaphore_mem>>)
      %dma_wait3A = arith.constant 0 : i32
      %dma_wait3A_62 = tpu.memref_slice %arg7[%add3A_3, %dma_wait3A] : memref<10240x128xf32, #tpu.memory_space<vmem_shared>> -> memref<128x128xf32, #tpu.memory_space<vmem_shared>>
      %dma_wait3A_63 = arith.constant 0 : i32
      %dma_wait3A_64 = tpu.memref_slice %arg7[%add3A_3, %dma_wait3A_63] : memref<10240x128xf32, #tpu.memory_space<vmem_shared>> -> memref<128x128xf32, #tpu.memory_space<vmem_shared>>
      tpu.wait_dma2 semaphore(%run_scoped3A : memref<!tpu.dma_semaphore, #tpu.memory_space<semaphore_mem>>) src(%arg11 : memref<128x128xf32, #tpu.memory_space<vmem>>) dst(%dma_wait3A_64 : memref<128x128xf32, #tpu.memory_space<vmem_shared>>)
      tpu.yield
    }) : () -> ()
    %add3A_4 = arith.constant 256 : i32
    %add3A_5 = arith.addi %mul3A_0, %add3A_4 : i32
    "tpu.region"() ({
      %run_scoped3A = tpu.sem_alloc : memref<!tpu.dma_semaphore, #tpu.memory_space<semaphore_mem>>
      %dma_start3A_58 = arith.constant 0 : i32
      %dma_start3A_59 = tpu.memref_slice %arg7[%add3A_5, %dma_start3A_58] : memref<10240x128xf32, #tpu.memory_space<vmem_shared>> -> memref<128x128xf32, #tpu.memory_space<vmem_shared>>
      %dma_start3A_60 = arith.constant 0 : i32
      %dma_start3A_61 = tpu.memref_slice %arg7[%add3A_5, %dma_start3A_60] : memref<10240x128xf32, #tpu.memory_space<vmem_shared>> -> memref<128x128xf32, #tpu.memory_space<vmem_shared>>
      tpu.enqueue_dma source(%arg11 : memref<128x128xf32, #tpu.memory_space<vmem>>) target(%dma_start3A_61 : memref<128x128xf32, #tpu.memory_space<vmem_shared>>) target_semaphore(%run_scoped3A : memref<!tpu.dma_semaphore, #tpu.memory_space<semaphore_mem>>)
      %dma_wait3A = arith.constant 0 : i32
      %dma_wait3A_62 = tpu.memref_slice %arg7[%add3A_5, %dma_wait3A] : memref<10240x128xf32, #tpu.memory_space<vmem_shared>> -> memref<128x128xf32, #tpu.memory_space<vmem_shared>>
      %dma_wait3A_63 = arith.constant 0 : i32
      %dma_wait3A_64 = tpu.memref_slice %arg7[%add3A_5, %dma_wait3A_63] : memref<10240x128xf32, #tpu.memory_space<vmem_shared>> -> memref<128x128xf32, #tpu.memory_space<vmem_shared>>
      tpu.wait_dma2 semaphore(%run_scoped3A : memref<!tpu.dma_semaphore, #tpu.memory_space<semaphore_mem>>) src(%arg11 : memref<128x128xf32, #tpu.memory_space<vmem>>) dst(%dma_wait3A_64 : memref<128x128xf32, #tpu.memory_space<vmem_shared>>)
      tpu.yield
    }) : () -> ()
    %add3A_6 = arith.constant 384 : i32
    %add3A_7 = arith.addi %mul3A_0, %add3A_6 : i32
    "tpu.region"() ({
      %run_scoped3A = tpu.sem_alloc : memref<!tpu.dma_semaphore, #tpu.memory_space<semaphore_mem>>
      %dma_start3A_58 = arith.constant 0 : i32
      %dma_start3A_59 = tpu.memref_slice %arg7[%add3A_7, %dma_start3A_58] : memref<10240x128xf32, #tpu.memory_space<vmem_shared>> -> memref<128x128xf32, #tpu.memory_space<vmem_shared>>
      %dma_start3A_60 = arith.constant 0 : i32
      %dma_start3A_61 = tpu.memref_slice %arg7[%add3A_7, %dma_start3A_60] : memref<10240x128xf32, #tpu.memory_space<vmem_shared>> -> memref<128x128xf32, #tpu.memory_space<vmem_shared>>
      tpu.enqueue_dma source(%arg11 : memref<128x128xf32, #tpu.memory_space<vmem>>) target(%dma_start3A_61 : memref<128x128xf32, #tpu.memory_space<vmem_shared>>) target_semaphore(%run_scoped3A : memref<!tpu.dma_semaphore, #tpu.memory_space<semaphore_mem>>)
      %dma_wait3A = arith.constant 0 : i32
      %dma_wait3A_62 = tpu.memref_slice %arg7[%add3A_7, %dma_wait3A] : memref<10240x128xf32, #tpu.memory_space<vmem_shared>> -> memref<128x128xf32, #tpu.memory_space<vmem_shared>>
      %dma_wait3A_63 = arith.constant 0 : i32
      %dma_wait3A_64 = tpu.memref_slice %arg7[%add3A_7, %dma_wait3A_63] : memref<10240x128xf32, #tpu.memory_space<vmem_shared>> -> memref<128x128xf32, #tpu.memory_space<vmem_shared>>
      tpu.wait_dma2 semaphore(%run_scoped3A : memref<!tpu.dma_semaphore, #tpu.memory_space<semaphore_mem>>) src(%arg11 : memref<128x128xf32, #tpu.memory_space<vmem>>) dst(%dma_wait3A_64 : memref<128x128xf32, #tpu.memory_space<vmem_shared>>)
      tpu.yield
    }) : () -> ()
    %add3A_8 = arith.constant 512 : i32
    %add3A_9 = arith.addi %mul3A_0, %add3A_8 : i32
    "tpu.region"() ({
      %run_scoped3A = tpu.sem_alloc : memref<!tpu.dma_semaphore, #tpu.memory_space<semaphore_mem>>
      %dma_start3A_58 = arith.constant 0 : i32
      %dma_start3A_59 = tpu.memref_slice %arg7[%add3A_9, %dma_start3A_58] : memref<10240x128xf32, #tpu.memory_space<vmem_shared>> -> memref<128x128xf32, #tpu.memory_space<vmem_shared>>
      %dma_start3A_60 = arith.constant 0 : i32
      %dma_start3A_61 = tpu.memref_slice %arg7[%add3A_9, %dma_start3A_60] : memref<10240x128xf32, #tpu.memory_space<vmem_shared>> -> memref<128x128xf32, #tpu.memory_space<vmem_shared>>
      tpu.enqueue_dma source(%arg11 : memref<128x128xf32, #tpu.memory_space<vmem>>) target(%dma_start3A_61 : memref<128x128xf32, #tpu.memory_space<vmem_shared>>) target_semaphore(%run_scoped3A : memref<!tpu.dma_semaphore, #tpu.memory_space<semaphore_mem>>)
      %dma_wait3A = arith.constant 0 : i32
      %dma_wait3A_62 = tpu.memref_slice %arg7[%add3A_9, %dma_wait3A] : memref<10240x128xf32, #tpu.memory_space<vmem_shared>> -> memref<128x128xf32, #tpu.memory_space<vmem_shared>>
      %dma_wait3A_63 = arith.constant 0 : i32
      %dma_wait3A_64 = tpu.memref_slice %arg7[%add3A_9, %dma_wait3A_63] : memref<10240x128xf32, #tpu.memory_space<vmem_shared>> -> memref<128x128xf32, #tpu.memory_space<vmem_shared>>
      tpu.wait_dma2 semaphore(%run_scoped3A : memref<!tpu.dma_semaphore, #tpu.memory_space<semaphore_mem>>) src(%arg11 : memref<128x128xf32, #tpu.memory_space<vmem>>) dst(%dma_wait3A_64 : memref<128x128xf32, #tpu.memory_space<vmem_shared>>)
      tpu.yield
    }) : () -> ()
    %mul3A_10 = arith.constant 163840 : i32
    %mul3A_11 = arith.muli %arg0, %mul3A_10 : i32
    %mul3A_12 = arith.constant 10240 : i32
    %mul3A_13 = arith.muli %arg1, %mul3A_12 : i32
    %add3A_14 = arith.addi %mul3A_11, %mul3A_13 : i32
    "tpu.region"() ({
      %run_scoped3A = tpu.sem_alloc : memref<!tpu.dma_semaphore, #tpu.memory_space<semaphore_mem>>
      %dma_start3A_58 = tpu.memref_slice %arg3[%add3A_14] : memref<327680xi32, #tpu.memory_space<hbm>> -> memref<10240xi32, #tpu.memory_space<hbm>>
      %dma_start3A_59 = tpu.memref_slice %arg3[%add3A_14] : memref<327680xi32, #tpu.memory_space<hbm>> -> memref<10240xi32, #tpu.memory_space<hbm>>
      tpu.enqueue_dma source(%dma_start3A_59 : memref<10240xi32, #tpu.memory_space<hbm>>) target(%arg8 : memref<10240xi32, #tpu.memory_space<vmem>>) target_semaphore(%run_scoped3A : memref<!tpu.dma_semaphore, #tpu.memory_space<semaphore_mem>>)
      %dma_wait3A = tpu.memref_slice %arg3[%add3A_14] : memref<327680xi32, #tpu.memory_space<hbm>> -> memref<10240xi32, #tpu.memory_space<hbm>>
      %dma_wait3A_60 = tpu.memref_slice %arg3[%add3A_14] : memref<327680xi32, #tpu.memory_space<hbm>> -> memref<10240xi32, #tpu.memory_space<hbm>>
      tpu.wait_dma2 semaphore(%run_scoped3A : memref<!tpu.dma_semaphore, #tpu.memory_space<semaphore_mem>>) src(%dma_wait3A_60 : memref<10240xi32, #tpu.memory_space<hbm>>) dst(%arg8 : memref<10240xi32, #tpu.memory_space<vmem>>)
      tpu.yield
    }) : () -> ()
    %barrier3A = arith.constant 0 : index
    tpu.barrier barrier_id(%barrier3A)
    %mul3A_15 = arith.constant 80 : i32
    %mul3A_16 = arith.muli %arg1, %mul3A_15 : i32
    %add3A_17 = arith.constant 0 : i32
    %add3A_18 = arith.addi %mul3A_16, %add3A_17 : i32
    %mul3A_19 = arith.constant 128 : i32
    %mul3A_20 = arith.muli %add3A_18, %mul3A_19 : i32
    %dma_start3A = tpu.memref_slice %arg4[%mul3A_20] : memref<163840xi32, #tpu.memory_space<hbm>> -> memref<128xi32, #tpu.memory_space<hbm>>
    %dma_start3A_21 = tpu.memref_slice %arg4[%mul3A_20] : memref<163840xi32, #tpu.memory_space<hbm>> -> memref<128xi32, #tpu.memory_space<hbm>>
    tpu.enqueue_dma source(%dma_start3A_21 : memref<128xi32, #tpu.memory_space<hbm>>) target(%arg9 : memref<128xi32, #tpu.memory_space<vmem>>) target_semaphore(%arg15 : memref<!tpu.dma_semaphore, #tpu.memory_space<semaphore_mem>>)
    %dma_start3A_22 = arith.constant 0 : i32
    %dma_start3A_23 = tpu.memref_slice %arg8[%dma_start3A_22] : memref<10240xi32, #tpu.memory_space<vmem>> -> memref<128xi32, #tpu.memory_space<vmem>>
    %dma_start3A_24 = arith.constant 0 : i32
    %dma_start3A_25 = arith.constant 0 : i32
    %dma_start3A_26 = tpu.memref_slice %arg2[%dma_start3A_24, %dma_start3A_25] : memref<20000x128xf32, #tpu.memory_space<hbm>> -> memref<20000x128xf32, #tpu.memory_space<hbm>>
    tpu.enqueue_indirect_dma source(%dma_start3A_26 : memref<20000x128xf32, #tpu.memory_space<hbm>>) target(%arg11 : memref<128x128xf32, #tpu.memory_space<vmem>>) offsets(%dma_start3A_23 : memref<128xi32, #tpu.memory_space<vmem>>) semaphore(%arg13 : memref<!tpu.dma_semaphore, #tpu.memory_space<semaphore_mem>>)
    %scan3A = arith.constant 0 : i32
    %scan3A_27 = arith.constant 0 : i32
    %scan3A_28 = arith.constant 40 : i32
    %scan3A_29 = arith.addi %scan3A_27, %scan3A_28 : i32
    %scan3A_30 = arith.constant 1 : i32
    scf.for %scan3A_58 = %scan3A_27 to %scan3A_29 step %scan3A_30  : i32 {
      %mul3A_59 = arith.constant 2 : i32
      %mul3A_60 = arith.muli %mul3A_59, %scan3A_58 : i32
      %mul3A_61 = arith.constant 2 : i32
      %mul3A_62 = arith.muli %mul3A_61, %scan3A_58 : i32
      %add3A_63 = arith.constant 1 : i32
      %add3A_64 = arith.addi %mul3A_62, %add3A_63 : i32
      %mul3A_65 = arith.constant 80 : i32
      %mul3A_66 = arith.muli %arg1, %mul3A_65 : i32
      %add3A_67 = arith.addi %mul3A_66, %add3A_64 : i32
      %mul3A_68 = arith.constant 128 : i32
      %mul3A_69 = arith.muli %add3A_67, %mul3A_68 : i32
      %dma_start3A_70 = tpu.memref_slice %arg4[%mul3A_69] : memref<163840xi32, #tpu.memory_space<hbm>> -> memref<128xi32, #tpu.memory_space<hbm>>
      %dma_start3A_71 = tpu.memref_slice %arg4[%mul3A_69] : memref<163840xi32, #tpu.memory_space<hbm>> -> memref<128xi32, #tpu.memory_space<hbm>>
      tpu.enqueue_dma source(%dma_start3A_71 : memref<128xi32, #tpu.memory_space<hbm>>) target(%arg10 : memref<128xi32, #tpu.memory_space<vmem>>) target_semaphore(%arg16 : memref<!tpu.dma_semaphore, #tpu.memory_space<semaphore_mem>>)
      %mul3A_72 = arith.constant 128 : i32
      %mul3A_73 = arith.muli %add3A_64, %mul3A_72 : i32
      %dma_start3A_74 = tpu.memref_slice %arg8[%mul3A_73] : memref<10240xi32, #tpu.memory_space<vmem>> -> memref<128xi32, #tpu.memory_space<vmem>>
      %dma_start3A_75 = arith.constant 0 : i32
      %dma_start3A_76 = arith.constant 0 : i32
      %dma_start3A_77 = tpu.memref_slice %arg2[%dma_start3A_75, %dma_start3A_76] : memref<20000x128xf32, #tpu.memory_space<hbm>> -> memref<20000x128xf32, #tpu.memory_space<hbm>>
      tpu.enqueue_indirect_dma source(%dma_start3A_77 : memref<20000x128xf32, #tpu.memory_space<hbm>>) target(%arg12 : memref<128x128xf32, #tpu.memory_space<vmem>>) offsets(%dma_start3A_74 : memref<128xi32, #tpu.memory_space<vmem>>) semaphore(%arg14 : memref<!tpu.dma_semaphore, #tpu.memory_space<semaphore_mem>>)
      %mul3A_78 = arith.constant 80 : i32
      %mul3A_79 = arith.muli %arg1, %mul3A_78 : i32
      %add3A_80 = arith.addi %mul3A_79, %mul3A_60 : i32
      %mul3A_81 = arith.constant 128 : i32
      %mul3A_82 = arith.muli %add3A_80, %mul3A_81 : i32
      %dma_wait3A = tpu.memref_slice %arg4[%mul3A_82] : memref<163840xi32, #tpu.memory_space<hbm>> -> memref<128xi32, #tpu.memory_space<hbm>>
      %dma_wait3A_83 = tpu.memref_slice %arg4[%mul3A_82] : memref<163840xi32, #tpu.memory_space<hbm>> -> memref<128xi32, #tpu.memory_space<hbm>>
      tpu.wait_dma2 semaphore(%arg15 : memref<!tpu.dma_semaphore, #tpu.memory_space<semaphore_mem>>) src(%dma_wait3A_83 : memref<128xi32, #tpu.memory_space<hbm>>) dst(%arg9 : memref<128xi32, #tpu.memory_space<vmem>>)
      %mul3A_84 = arith.constant 128 : i32
      %mul3A_85 = arith.muli %mul3A_60, %mul3A_84 : i32
      %dma_wait3A_86 = tpu.memref_slice %arg8[%mul3A_85] : memref<10240xi32, #tpu.memory_space<vmem>> -> memref<128xi32, #tpu.memory_space<vmem>>
      %dma_wait3A_87 = arith.constant 0 : i32
      %dma_wait3A_88 = arith.constant 0 : i32
      %dma_wait3A_89 = tpu.memref_slice %arg2[%dma_wait3A_87, %dma_wait3A_88] : memref<20000x128xf32, #tpu.memory_space<hbm>> -> memref<20000x128xf32, #tpu.memory_space<hbm>>
      tpu.wait_indirect_dma semaphore(%arg13 : memref<!tpu.dma_semaphore, #tpu.memory_space<semaphore_mem>>) src(%dma_wait3A_89 : memref<20000x128xf32, #tpu.memory_space<hbm>>) dst(%arg11 : memref<128x128xf32, #tpu.memory_space<vmem>>)
      "tpu.region"() ({
        %run_scoped3A = tpu.sem_alloc : memref<!tpu.dma_semaphore, #tpu.memory_space<semaphore_mem>>
        %dma_start3A_105 = arith.constant 0 : i32
        %dma_start3A_106 = arith.constant 0 : i32
        %dma_start3A_107 = tpu.memref_slice %arg7[%dma_start3A_105, %dma_start3A_106] : memref<10240x128xf32, #tpu.memory_space<vmem_shared>> -> memref<10240x128xf32, #tpu.memory_space<vmem_shared>>
        tpu.enqueue_indirect_dma source(%arg11 : memref<128x128xf32, #tpu.memory_space<vmem>>) target(%dma_start3A_107 : memref<10240x128xf32, #tpu.memory_space<vmem_shared>>) offsets(%arg9 : memref<128xi32, #tpu.memory_space<vmem>>) semaphore(%run_scoped3A : memref<!tpu.dma_semaphore, #tpu.memory_space<semaphore_mem>>) {add = true}
        %dma_wait3A_108 = arith.constant 0 : i32
        %dma_wait3A_109 = arith.constant 0 : i32
        %dma_wait3A_110 = tpu.memref_slice %arg7[%dma_wait3A_108, %dma_wait3A_109] : memref<10240x128xf32, #tpu.memory_space<vmem_shared>> -> memref<10240x128xf32, #tpu.memory_space<vmem_shared>>
        tpu.wait_indirect_dma semaphore(%run_scoped3A : memref<!tpu.dma_semaphore, #tpu.memory_space<semaphore_mem>>) src(%arg11 : memref<128x128xf32, #tpu.memory_space<vmem>>) dst(%dma_wait3A_110 : memref<10240x128xf32, #tpu.memory_space<vmem_shared>>)
        tpu.yield
      }) : () -> ()
      %lt3A = arith.constant 39 : i32
      %lt3A_90 = arith.cmpi slt, %scan3A_58, %lt3A : i32
      %convert_element_type3A = arith.extui %lt3A_90 : i1 to i32
      %cond3A = arith.constant 0 : i32
      %cond3A_91 = arith.cmpi ne, %convert_element_type3A, %cond3A : i32
      scf.if %cond3A_91 {
        %add3A_105 = arith.constant 2 : i32
        %add3A_106 = arith.addi %mul3A_60, %add3A_105 : i32
        %mul3A_107 = arith.constant 80 : i32
        %mul3A_108 = arith.muli %arg1, %mul3A_107 : i32
        %add3A_109 = arith.addi %mul3A_108, %add3A_106 : i32
        %mul3A_110 = arith.constant 128 : i32
        %mul3A_111 = arith.muli %add3A_109, %mul3A_110 : i32
        %dma_start3A_112 = tpu.memref_slice %arg4[%mul3A_111] : memref<163840xi32, #tpu.memory_space<hbm>> -> memref<128xi32, #tpu.memory_space<hbm>>
        %dma_start3A_113 = tpu.memref_slice %arg4[%mul3A_111] : memref<163840xi32, #tpu.memory_space<hbm>> -> memref<128xi32, #tpu.memory_space<hbm>>
        tpu.enqueue_dma source(%dma_start3A_113 : memref<128xi32, #tpu.memory_space<hbm>>) target(%arg9 : memref<128xi32, #tpu.memory_space<vmem>>) target_semaphore(%arg15 : memref<!tpu.dma_semaphore, #tpu.memory_space<semaphore_mem>>)
        %add3A_114 = arith.constant 2 : i32
        %add3A_115 = arith.addi %mul3A_60, %add3A_114 : i32
        %mul3A_116 = arith.constant 128 : i32
        %mul3A_117 = arith.muli %add3A_115, %mul3A_116 : i32
        %dma_start3A_118 = tpu.memref_slice %arg8[%mul3A_117] : memref<10240xi32, #tpu.memory_space<vmem>> -> memref<128xi32, #tpu.memory_space<vmem>>
        %dma_start3A_119 = arith.constant 0 : i32
        %dma_start3A_120 = arith.constant 0 : i32
        %dma_start3A_121 = tpu.memref_slice %arg2[%dma_start3A_119, %dma_start3A_120] : memref<20000x128xf32, #tpu.memory_space<hbm>> -> memref<20000x128xf32, #tpu.memory_space<hbm>>
        tpu.enqueue_indirect_dma source(%dma_start3A_121 : memref<20000x128xf32, #tpu.memory_space<hbm>>) target(%arg11 : memref<128x128xf32, #tpu.memory_space<vmem>>) offsets(%dma_start3A_118 : memref<128xi32, #tpu.memory_space<vmem>>) semaphore(%arg13 : memref<!tpu.dma_semaphore, #tpu.memory_space<semaphore_mem>>)
      } else {
      }
      %mul3A_92 = arith.constant 80 : i32
      %mul3A_93 = arith.muli %arg1, %mul3A_92 : i32
      %add3A_94 = arith.addi %mul3A_93, %add3A_64 : i32
      %mul3A_95 = arith.constant 128 : i32
      %mul3A_96 = arith.muli %add3A_94, %mul3A_95 : i32
      %dma_wait3A_97 = tpu.memref_slice %arg4[%mul3A_96] : memref<163840xi32, #tpu.memory_space<hbm>> -> memref<128xi32, #tpu.memory_space<hbm>>
      %dma_wait3A_98 = tpu.memref_slice %arg4[%mul3A_96] : memref<163840xi32, #tpu.memory_space<hbm>> -> memref<128xi32, #tpu.memory_space<hbm>>
      tpu.wait_dma2 semaphore(%arg16 : memref<!tpu.dma_semaphore, #tpu.memory_space<semaphore_mem>>) src(%dma_wait3A_98 : memref<128xi32, #tpu.memory_space<hbm>>) dst(%arg10 : memref<128xi32, #tpu.memory_space<vmem>>)
      %mul3A_99 = arith.constant 128 : i32
      %mul3A_100 = arith.muli %add3A_64, %mul3A_99 : i32
      %dma_wait3A_101 = tpu.memref_slice %arg8[%mul3A_100] : memref<10240xi32, #tpu.memory_space<vmem>> -> memref<128xi32, #tpu.memory_space<vmem>>
      %dma_wait3A_102 = arith.constant 0 : i32
      %dma_wait3A_103 = arith.constant 0 : i32
      %dma_wait3A_104 = tpu.memref_slice %arg2[%dma_wait3A_102, %dma_wait3A_103] : memref<20000x128xf32, #tpu.memory_space<hbm>> -> memref<20000x128xf32, #tpu.memory_space<hbm>>
      tpu.wait_indirect_dma semaphore(%arg14 : memref<!tpu.dma_semaphore, #tpu.memory_space<semaphore_mem>>) src(%dma_wait3A_104 : memref<20000x128xf32, #tpu.memory_space<hbm>>) dst(%arg12 : memref<128x128xf32, #tpu.memory_space<vmem>>)
      "tpu.region"() ({
        %run_scoped3A = tpu.sem_alloc : memref<!tpu.dma_semaphore, #tpu.memory_space<semaphore_mem>>
        %dma_start3A_105 = arith.constant 0 : i32
        %dma_start3A_106 = arith.constant 0 : i32
        %dma_start3A_107 = tpu.memref_slice %arg7[%dma_start3A_105, %dma_start3A_106] : memref<10240x128xf32, #tpu.memory_space<vmem_shared>> -> memref<10240x128xf32, #tpu.memory_space<vmem_shared>>
        tpu.enqueue_indirect_dma source(%arg12 : memref<128x128xf32, #tpu.memory_space<vmem>>) target(%dma_start3A_107 : memref<10240x128xf32, #tpu.memory_space<vmem_shared>>) offsets(%arg10 : memref<128xi32, #tpu.memory_space<vmem>>) semaphore(%run_scoped3A : memref<!tpu.dma_semaphore, #tpu.memory_space<semaphore_mem>>) {add = true}
        %dma_wait3A_108 = arith.constant 0 : i32
        %dma_wait3A_109 = arith.constant 0 : i32
        %dma_wait3A_110 = tpu.memref_slice %arg7[%dma_wait3A_108, %dma_wait3A_109] : memref<10240x128xf32, #tpu.memory_space<vmem_shared>> -> memref<10240x128xf32, #tpu.memory_space<vmem_shared>>
        tpu.wait_indirect_dma semaphore(%run_scoped3A : memref<!tpu.dma_semaphore, #tpu.memory_space<semaphore_mem>>) src(%arg12 : memref<128x128xf32, #tpu.memory_space<vmem>>) dst(%dma_wait3A_110 : memref<10240x128xf32, #tpu.memory_space<vmem_shared>>)
        tpu.yield
      }) : () -> ()
    }
    %scan3A_31 = arith.constant 40 : i32
    %barrier3A_32 = arith.constant 0 : index
    tpu.barrier barrier_id(%barrier3A_32)
    %add3A_33 = arith.constant 0 : i32
    %add3A_34 = arith.addi %mul3A_0, %add3A_33 : i32
    %mul3A_35 = arith.constant 10240 : i32
    %mul3A_36 = arith.muli %arg0, %mul3A_35 : i32
    %add3A_37 = arith.addi %mul3A_36, %add3A_34 : i32
    "tpu.region"() ({
      %run_scoped3A = tpu.sem_alloc : memref<!tpu.dma_semaphore, #tpu.memory_space<semaphore_mem>>
      %dma_start3A_58 = arith.constant 0 : i32
      %dma_start3A_59 = tpu.memref_slice %arg6[%add3A_37, %dma_start3A_58] : memref<20480x128xf32, #tpu.memory_space<hbm>> -> memref<128x128xf32, #tpu.memory_space<hbm>>
      %dma_start3A_60 = arith.constant 0 : i32
      %dma_start3A_61 = tpu.memref_slice %arg7[%add3A_34, %dma_start3A_60] : memref<10240x128xf32, #tpu.memory_space<vmem_shared>> -> memref<128x128xf32, #tpu.memory_space<vmem_shared>>
      tpu.enqueue_dma source(%dma_start3A_61 : memref<128x128xf32, #tpu.memory_space<vmem_shared>>) target(%dma_start3A_59 : memref<128x128xf32, #tpu.memory_space<hbm>>) target_semaphore(%run_scoped3A : memref<!tpu.dma_semaphore, #tpu.memory_space<semaphore_mem>>)
      %dma_wait3A = arith.constant 0 : i32
      %dma_wait3A_62 = tpu.memref_slice %arg6[%add3A_37, %dma_wait3A] : memref<20480x128xf32, #tpu.memory_space<hbm>> -> memref<128x128xf32, #tpu.memory_space<hbm>>
      %dma_wait3A_63 = arith.constant 0 : i32
      %dma_wait3A_64 = tpu.memref_slice %arg7[%add3A_34, %dma_wait3A_63] : memref<10240x128xf32, #tpu.memory_space<vmem_shared>> -> memref<128x128xf32, #tpu.memory_space<vmem_shared>>
      tpu.wait_dma2 semaphore(%run_scoped3A : memref<!tpu.dma_semaphore, #tpu.memory_space<semaphore_mem>>) src(%dma_wait3A_64 : memref<128x128xf32, #tpu.memory_space<vmem_shared>>) dst(%dma_wait3A_62 : memref<128x128xf32, #tpu.memory_space<hbm>>)
      tpu.yield
    }) : () -> ()
    %add3A_38 = arith.constant 128 : i32
    %add3A_39 = arith.addi %mul3A_0, %add3A_38 : i32
    %mul3A_40 = arith.constant 10240 : i32
    %mul3A_41 = arith.muli %arg0, %mul3A_40 : i32
    %add3A_42 = arith.addi %mul3A_41, %add3A_39 : i32
    "tpu.region"() ({
      %run_scoped3A = tpu.sem_alloc : memref<!tpu.dma_semaphore, #tpu.memory_space<semaphore_mem>>
      %dma_start3A_58 = arith.constant 0 : i32
      %dma_start3A_59 = tpu.memref_slice %arg6[%add3A_42, %dma_start3A_58] : memref<20480x128xf32, #tpu.memory_space<hbm>> -> memref<128x128xf32, #tpu.memory_space<hbm>>
      %dma_start3A_60 = arith.constant 0 : i32
      %dma_start3A_61 = tpu.memref_slice %arg7[%add3A_39, %dma_start3A_60] : memref<10240x128xf32, #tpu.memory_space<vmem_shared>> -> memref<128x128xf32, #tpu.memory_space<vmem_shared>>
      tpu.enqueue_dma source(%dma_start3A_61 : memref<128x128xf32, #tpu.memory_space<vmem_shared>>) target(%dma_start3A_59 : memref<128x128xf32, #tpu.memory_space<hbm>>) target_semaphore(%run_scoped3A : memref<!tpu.dma_semaphore, #tpu.memory_space<semaphore_mem>>)
      %dma_wait3A = arith.constant 0 : i32
      %dma_wait3A_62 = tpu.memref_slice %arg6[%add3A_42, %dma_wait3A] : memref<20480x128xf32, #tpu.memory_space<hbm>> -> memref<128x128xf32, #tpu.memory_space<hbm>>
      %dma_wait3A_63 = arith.constant 0 : i32
      %dma_wait3A_64 = tpu.memref_slice %arg7[%add3A_39, %dma_wait3A_63] : memref<10240x128xf32, #tpu.memory_space<vmem_shared>> -> memref<128x128xf32, #tpu.memory_space<vmem_shared>>
      tpu.wait_dma2 semaphore(%run_scoped3A : memref<!tpu.dma_semaphore, #tpu.memory_space<semaphore_mem>>) src(%dma_wait3A_64 : memref<128x128xf32, #tpu.memory_space<vmem_shared>>) dst(%dma_wait3A_62 : memref<128x128xf32, #tpu.memory_space<hbm>>)
      tpu.yield
    }) : () -> ()
    %add3A_43 = arith.constant 256 : i32
    %add3A_44 = arith.addi %mul3A_0, %add3A_43 : i32
    %mul3A_45 = arith.constant 10240 : i32
    %mul3A_46 = arith.muli %arg0, %mul3A_45 : i32
    %add3A_47 = arith.addi %mul3A_46, %add3A_44 : i32
    "tpu.region"() ({
      %run_scoped3A = tpu.sem_alloc : memref<!tpu.dma_semaphore, #tpu.memory_space<semaphore_mem>>
      %dma_start3A_58 = arith.constant 0 : i32
      %dma_start3A_59 = tpu.memref_slice %arg6[%add3A_47, %dma_start3A_58] : memref<20480x128xf32, #tpu.memory_space<hbm>> -> memref<128x128xf32, #tpu.memory_space<hbm>>
      %dma_start3A_60 = arith.constant 0 : i32
      %dma_start3A_61 = tpu.memref_slice %arg7[%add3A_44, %dma_start3A_60] : memref<10240x128xf32, #tpu.memory_space<vmem_shared>> -> memref<128x128xf32, #tpu.memory_space<vmem_shared>>
      tpu.enqueue_dma source(%dma_start3A_61 : memref<128x128xf32, #tpu.memory_space<vmem_shared>>) target(%dma_start3A_59 : memref<128x128xf32, #tpu.memory_space<hbm>>) target_semaphore(%run_scoped3A : memref<!tpu.dma_semaphore, #tpu.memory_space<semaphore_mem>>)
      %dma_wait3A = arith.constant 0 : i32
      %dma_wait3A_62 = tpu.memref_slice %arg6[%add3A_47, %dma_wait3A] : memref<20480x128xf32, #tpu.memory_space<hbm>> -> memref<128x128xf32, #tpu.memory_space<hbm>>
      %dma_wait3A_63 = arith.constant 0 : i32
      %dma_wait3A_64 = tpu.memref_slice %arg7[%add3A_44, %dma_wait3A_63] : memref<10240x128xf32, #tpu.memory_space<vmem_shared>> -> memref<128x128xf32, #tpu.memory_space<vmem_shared>>
      tpu.wait_dma2 semaphore(%run_scoped3A : memref<!tpu.dma_semaphore, #tpu.memory_space<semaphore_mem>>) src(%dma_wait3A_64 : memref<128x128xf32, #tpu.memory_space<vmem_shared>>) dst(%dma_wait3A_62 : memref<128x128xf32, #tpu.memory_space<hbm>>)
      tpu.yield
    }) : () -> ()
    %add3A_48 = arith.constant 384 : i32
    %add3A_49 = arith.addi %mul3A_0, %add3A_48 : i32
    %mul3A_50 = arith.constant 10240 : i32
    %mul3A_51 = arith.muli %arg0, %mul3A_50 : i32
    %add3A_52 = arith.addi %mul3A_51, %add3A_49 : i32
    "tpu.region"() ({
      %run_scoped3A = tpu.sem_alloc : memref<!tpu.dma_semaphore, #tpu.memory_space<semaphore_mem>>
      %dma_start3A_58 = arith.constant 0 : i32
      %dma_start3A_59 = tpu.memref_slice %arg6[%add3A_52, %dma_start3A_58] : memref<20480x128xf32, #tpu.memory_space<hbm>> -> memref<128x128xf32, #tpu.memory_space<hbm>>
      %dma_start3A_60 = arith.constant 0 : i32
      %dma_start3A_61 = tpu.memref_slice %arg7[%add3A_49, %dma_start3A_60] : memref<10240x128xf32, #tpu.memory_space<vmem_shared>> -> memref<128x128xf32, #tpu.memory_space<vmem_shared>>
      tpu.enqueue_dma source(%dma_start3A_61 : memref<128x128xf32, #tpu.memory_space<vmem_shared>>) target(%dma_start3A_59 : memref<128x128xf32, #tpu.memory_space<hbm>>) target_semaphore(%run_scoped3A : memref<!tpu.dma_semaphore, #tpu.memory_space<semaphore_mem>>)
      %dma_wait3A = arith.constant 0 : i32
      %dma_wait3A_62 = tpu.memref_slice %arg6[%add3A_52, %dma_wait3A] : memref<20480x128xf32, #tpu.memory_space<hbm>> -> memref<128x128xf32, #tpu.memory_space<hbm>>
      %dma_wait3A_63 = arith.constant 0 : i32
      %dma_wait3A_64 = tpu.memref_slice %arg7[%add3A_49, %dma_wait3A_63] : memref<10240x128xf32, #tpu.memory_space<vmem_shared>> -> memref<128x128xf32, #tpu.memory_space<vmem_shared>>
      tpu.wait_dma2 semaphore(%run_scoped3A : memref<!tpu.dma_semaphore, #tpu.memory_space<semaphore_mem>>) src(%dma_wait3A_64 : memref<128x128xf32, #tpu.memory_space<vmem_shared>>) dst(%dma_wait3A_62 : memref<128x128xf32, #tpu.memory_space<hbm>>)
      tpu.yield
    }) : () -> ()
    %add3A_53 = arith.constant 512 : i32
    %add3A_54 = arith.addi %mul3A_0, %add3A_53 : i32
    %mul3A_55 = arith.constant 10240 : i32
    %mul3A_56 = arith.muli %arg0, %mul3A_55 : i32
    %add3A_57 = arith.addi %mul3A_56, %add3A_54 : i32
    "tpu.region"() ({
      %run_scoped3A = tpu.sem_alloc : memref<!tpu.dma_semaphore, #tpu.memory_space<semaphore_mem>>
      %dma_start3A_58 = arith.constant 0 : i32
      %dma_start3A_59 = tpu.memref_slice %arg6[%add3A_57, %dma_start3A_58] : memref<20480x128xf32, #tpu.memory_space<hbm>> -> memref<128x128xf32, #tpu.memory_space<hbm>>
      %dma_start3A_60 = arith.constant 0 : i32
      %dma_start3A_61 = tpu.memref_slice %arg7[%add3A_54, %dma_start3A_60] : memref<10240x128xf32, #tpu.memory_space<vmem_shared>> -> memref<128x128xf32, #tpu.memory_space<vmem_shared>>
      tpu.enqueue_dma source(%dma_start3A_61 : memref<128x128xf32, #tpu.memory_space<vmem_shared>>) target(%dma_start3A_59 : memref<128x128xf32, #tpu.memory_space<hbm>>) target_semaphore(%run_scoped3A : memref<!tpu.dma_semaphore, #tpu.memory_space<semaphore_mem>>)
      %dma_wait3A = arith.constant 0 : i32
      %dma_wait3A_62 = tpu.memref_slice %arg6[%add3A_57, %dma_wait3A] : memref<20480x128xf32, #tpu.memory_space<hbm>> -> memref<128x128xf32, #tpu.memory_space<hbm>>
      %dma_wait3A_63 = arith.constant 0 : i32
      %dma_wait3A_64 = tpu.memref_slice %arg7[%add3A_54, %dma_wait3A_63] : memref<10240x128xf32, #tpu.memory_space<vmem_shared>> -> memref<128x128xf32, #tpu.memory_space<vmem_shared>>
      tpu.wait_dma2 semaphore(%run_scoped3A : memref<!tpu.dma_semaphore, #tpu.memory_space<semaphore_mem>>) src(%dma_wait3A_64 : memref<128x128xf32, #tpu.memory_space<vmem_shared>>) dst(%dma_wait3A_62 : memref<128x128xf32, #tpu.memory_space<hbm>>)
      tpu.yield
    }) : () -> ()
    return
  }
}

#map = affine_map<(d0, d1) -> (0, 0)>
#map1 = affine_map<(d0, d1) -> (0)>
module attributes {stable_mosaic.version = 14 : i64} {
  func.func @_sc_agg_kernel(%arg0: i32, %arg1: i32, %arg2: memref<20000x128xf32, #tpu.memory_space<hbm>>, %arg3: memref<327680xi32, #tpu.memory_space<hbm>>, %arg4: memref<163840xi32, #tpu.memory_space<hbm>>, %arg5: memref<128x128xf32, #tpu.memory_space<hbm>>, %arg6: memref<20480x128xf32, #tpu.memory_space<hbm>>, %arg7: memref<10240x128xf32, #tpu.memory_space<vmem_shared>>, %arg8: memref<10240xi32, #tpu.memory_space<vmem>>, %arg9: memref<128xi32, #tpu.memory_space<vmem>>, %arg10: memref<128xi32, #tpu.memory_space<vmem>>, %arg11: memref<128x128xf32, #tpu.memory_space<vmem>>, %arg12: memref<128x128xf32, #tpu.memory_space<vmem>>, %arg13: memref<!tpu.dma_semaphore, #tpu.memory_space<semaphore_mem>>, %arg14: memref<!tpu.dma_semaphore, #tpu.memory_space<semaphore_mem>>, %arg15: memref<!tpu.dma_semaphore, #tpu.memory_space<semaphore_mem>>, %arg16: memref<!tpu.dma_semaphore, #tpu.memory_space<semaphore_mem>>) attributes {dimension_semantics = [#tpu.dimension_semantics<core_parallel>, #tpu.dimension_semantics<subcore_parallel>], iteration_bounds = array<i64: 2, 16>, scalar_prefetch = 0 : i64, scratch_operands = 10 : i64, tpu.core_type = #tpu.core_type<sc_vector_subcore>, window_params = [{transform_indices = #map}, {transform_indices = #map1}, {transform_indices = #map1}, {transform_indices = #map}, {transform_indices = #map}]} {
    %mul3A = arith.constant 640 : i32
    %mul3A_0 = arith.muli %arg1, %mul3A : i32
    "tpu.region"() ({
      %run_scoped3A = tpu.sem_alloc : memref<!tpu.dma_semaphore, #tpu.memory_space<semaphore_mem>>
      tpu.enqueue_dma source(%arg5 : memref<128x128xf32, #tpu.memory_space<hbm>>) target(%arg11 : memref<128x128xf32, #tpu.memory_space<vmem>>) target_semaphore(%run_scoped3A : memref<!tpu.dma_semaphore, #tpu.memory_space<semaphore_mem>>)
      tpu.wait_dma2 semaphore(%run_scoped3A : memref<!tpu.dma_semaphore, #tpu.memory_space<semaphore_mem>>) src(%arg5 : memref<128x128xf32, #tpu.memory_space<hbm>>) dst(%arg11 : memref<128x128xf32, #tpu.memory_space<vmem>>)
      tpu.yield
    }) : () -> ()
    %add3A = arith.constant 0 : i32
    %add3A_1 = arith.addi %mul3A_0, %add3A : i32
    "tpu.region"() ({
      %run_scoped3A = tpu.sem_alloc : memref<!tpu.dma_semaphore, #tpu.memory_space<semaphore_mem>>
      %dma_start3A_58 = arith.constant 0 : i32
      %dma_start3A_59 = tpu.memref_slice %arg7[%add3A_1, %dma_start3A_58] : memref<10240x128xf32, #tpu.memory_space<vmem_shared>> -> memref<128x128xf32, #tpu.memory_space<vmem_shared>>
      %dma_start3A_60 = arith.constant 0 : i32
      %dma_start3A_61 = tpu.memref_slice %arg7[%add3A_1, %dma_start3A_60] : memref<10240x128xf32, #tpu.memory_space<vmem_shared>> -> memref<128x128xf32, #tpu.memory_space<vmem_shared>>
      tpu.enqueue_dma source(%arg11 : memref<128x128xf32, #tpu.memory_space<vmem>>) target(%dma_start3A_61 : memref<128x128xf32, #tpu.memory_space<vmem_shared>>) target_semaphore(%run_scoped3A : memref<!tpu.dma_semaphore, #tpu.memory_space<semaphore_mem>>)
      %dma_wait3A = arith.constant 0 : i32
      %dma_wait3A_62 = tpu.memref_slice %arg7[%add3A_1, %dma_wait3A] : memref<10240x128xf32, #tpu.memory_space<vmem_shared>> -> memref<128x128xf32, #tpu.memory_space<vmem_shared>>
      %dma_wait3A_63 = arith.constant 0 : i32
      %dma_wait3A_64 = tpu.memref_slice %arg7[%add3A_1, %dma_wait3A_63] : memref<10240x128xf32, #tpu.memory_space<vmem_shared>> -> memref<128x128xf32, #tpu.memory_space<vmem_shared>>
      tpu.wait_dma2 semaphore(%run_scoped3A : memref<!tpu.dma_semaphore, #tpu.memory_space<semaphore_mem>>) src(%arg11 : memref<128x128xf32, #tpu.memory_space<vmem>>) dst(%dma_wait3A_64 : memref<128x128xf32, #tpu.memory_space<vmem_shared>>)
      tpu.yield
    }) : () -> ()
    %add3A_2 = arith.constant 128 : i32
    %add3A_3 = arith.addi %mul3A_0, %add3A_2 : i32
    "tpu.region"() ({
      %run_scoped3A = tpu.sem_alloc : memref<!tpu.dma_semaphore, #tpu.memory_space<semaphore_mem>>
      %dma_start3A_58 = arith.constant 0 : i32
      %dma_start3A_59 = tpu.memref_slice %arg7[%add3A_3, %dma_start3A_58] : memref<10240x128xf32, #tpu.memory_space<vmem_shared>> -> memref<128x128xf32, #tpu.memory_space<vmem_shared>>
      %dma_start3A_60 = arith.constant 0 : i32
      %dma_start3A_61 = tpu.memref_slice %arg7[%add3A_3, %dma_start3A_60] : memref<10240x128xf32, #tpu.memory_space<vmem_shared>> -> memref<128x128xf32, #tpu.memory_space<vmem_shared>>
      tpu.enqueue_dma source(%arg11 : memref<128x128xf32, #tpu.memory_space<vmem>>) target(%dma_start3A_61 : memref<128x128xf32, #tpu.memory_space<vmem_shared>>) target_semaphore(%run_scoped3A : memref<!tpu.dma_semaphore, #tpu.memory_space<semaphore_mem>>)
      %dma_wait3A = arith.constant 0 : i32
      %dma_wait3A_62 = tpu.memref_slice %arg7[%add3A_3, %dma_wait3A] : memref<10240x128xf32, #tpu.memory_space<vmem_shared>> -> memref<128x128xf32, #tpu.memory_space<vmem_shared>>
      %dma_wait3A_63 = arith.constant 0 : i32
      %dma_wait3A_64 = tpu.memref_slice %arg7[%add3A_3, %dma_wait3A_63] : memref<10240x128xf32, #tpu.memory_space<vmem_shared>> -> memref<128x128xf32, #tpu.memory_space<vmem_shared>>
      tpu.wait_dma2 semaphore(%run_scoped3A : memref<!tpu.dma_semaphore, #tpu.memory_space<semaphore_mem>>) src(%arg11 : memref<128x128xf32, #tpu.memory_space<vmem>>) dst(%dma_wait3A_64 : memref<128x128xf32, #tpu.memory_space<vmem_shared>>)
      tpu.yield
    }) : () -> ()
    %add3A_4 = arith.constant 256 : i32
    %add3A_5 = arith.addi %mul3A_0, %add3A_4 : i32
    "tpu.region"() ({
      %run_scoped3A = tpu.sem_alloc : memref<!tpu.dma_semaphore, #tpu.memory_space<semaphore_mem>>
      %dma_start3A_58 = arith.constant 0 : i32
      %dma_start3A_59 = tpu.memref_slice %arg7[%add3A_5, %dma_start3A_58] : memref<10240x128xf32, #tpu.memory_space<vmem_shared>> -> memref<128x128xf32, #tpu.memory_space<vmem_shared>>
      %dma_start3A_60 = arith.constant 0 : i32
      %dma_start3A_61 = tpu.memref_slice %arg7[%add3A_5, %dma_start3A_60] : memref<10240x128xf32, #tpu.memory_space<vmem_shared>> -> memref<128x128xf32, #tpu.memory_space<vmem_shared>>
      tpu.enqueue_dma source(%arg11 : memref<128x128xf32, #tpu.memory_space<vmem>>) target(%dma_start3A_61 : memref<128x128xf32, #tpu.memory_space<vmem_shared>>) target_semaphore(%run_scoped3A : memref<!tpu.dma_semaphore, #tpu.memory_space<semaphore_mem>>)
      %dma_wait3A = arith.constant 0 : i32
      %dma_wait3A_62 = tpu.memref_slice %arg7[%add3A_5, %dma_wait3A] : memref<10240x128xf32, #tpu.memory_space<vmem_shared>> -> memref<128x128xf32, #tpu.memory_space<vmem_shared>>
      %dma_wait3A_63 = arith.constant 0 : i32
      %dma_wait3A_64 = tpu.memref_slice %arg7[%add3A_5, %dma_wait3A_63] : memref<10240x128xf32, #tpu.memory_space<vmem_shared>> -> memref<128x128xf32, #tpu.memory_space<vmem_shared>>
      tpu.wait_dma2 semaphore(%run_scoped3A : memref<!tpu.dma_semaphore, #tpu.memory_space<semaphore_mem>>) src(%arg11 : memref<128x128xf32, #tpu.memory_space<vmem>>) dst(%dma_wait3A_64 : memref<128x128xf32, #tpu.memory_space<vmem_shared>>)
      tpu.yield
    }) : () -> ()
    %add3A_6 = arith.constant 384 : i32
    %add3A_7 = arith.addi %mul3A_0, %add3A_6 : i32
    "tpu.region"() ({
      %run_scoped3A = tpu.sem_alloc : memref<!tpu.dma_semaphore, #tpu.memory_space<semaphore_mem>>
      %dma_start3A_58 = arith.constant 0 : i32
      %dma_start3A_59 = tpu.memref_slice %arg7[%add3A_7, %dma_start3A_58] : memref<10240x128xf32, #tpu.memory_space<vmem_shared>> -> memref<128x128xf32, #tpu.memory_space<vmem_shared>>
      %dma_start3A_60 = arith.constant 0 : i32
      %dma_start3A_61 = tpu.memref_slice %arg7[%add3A_7, %dma_start3A_60] : memref<10240x128xf32, #tpu.memory_space<vmem_shared>> -> memref<128x128xf32, #tpu.memory_space<vmem_shared>>
      tpu.enqueue_dma source(%arg11 : memref<128x128xf32, #tpu.memory_space<vmem>>) target(%dma_start3A_61 : memref<128x128xf32, #tpu.memory_space<vmem_shared>>) target_semaphore(%run_scoped3A : memref<!tpu.dma_semaphore, #tpu.memory_space<semaphore_mem>>)
      %dma_wait3A = arith.constant 0 : i32
      %dma_wait3A_62 = tpu.memref_slice %arg7[%add3A_7, %dma_wait3A] : memref<10240x128xf32, #tpu.memory_space<vmem_shared>> -> memref<128x128xf32, #tpu.memory_space<vmem_shared>>
      %dma_wait3A_63 = arith.constant 0 : i32
      %dma_wait3A_64 = tpu.memref_slice %arg7[%add3A_7, %dma_wait3A_63] : memref<10240x128xf32, #tpu.memory_space<vmem_shared>> -> memref<128x128xf32, #tpu.memory_space<vmem_shared>>
      tpu.wait_dma2 semaphore(%run_scoped3A : memref<!tpu.dma_semaphore, #tpu.memory_space<semaphore_mem>>) src(%arg11 : memref<128x128xf32, #tpu.memory_space<vmem>>) dst(%dma_wait3A_64 : memref<128x128xf32, #tpu.memory_space<vmem_shared>>)
      tpu.yield
    }) : () -> ()
    %add3A_8 = arith.constant 512 : i32
    %add3A_9 = arith.addi %mul3A_0, %add3A_8 : i32
    "tpu.region"() ({
      %run_scoped3A = tpu.sem_alloc : memref<!tpu.dma_semaphore, #tpu.memory_space<semaphore_mem>>
      %dma_start3A_58 = arith.constant 0 : i32
      %dma_start3A_59 = tpu.memref_slice %arg7[%add3A_9, %dma_start3A_58] : memref<10240x128xf32, #tpu.memory_space<vmem_shared>> -> memref<128x128xf32, #tpu.memory_space<vmem_shared>>
      %dma_start3A_60 = arith.constant 0 : i32
      %dma_start3A_61 = tpu.memref_slice %arg7[%add3A_9, %dma_start3A_60] : memref<10240x128xf32, #tpu.memory_space<vmem_shared>> -> memref<128x128xf32, #tpu.memory_space<vmem_shared>>
      tpu.enqueue_dma source(%arg11 : memref<128x128xf32, #tpu.memory_space<vmem>>) target(%dma_start3A_61 : memref<128x128xf32, #tpu.memory_space<vmem_shared>>) target_semaphore(%run_scoped3A : memref<!tpu.dma_semaphore, #tpu.memory_space<semaphore_mem>>)
      %dma_wait3A = arith.constant 0 : i32
      %dma_wait3A_62 = tpu.memref_slice %arg7[%add3A_9, %dma_wait3A] : memref<10240x128xf32, #tpu.memory_space<vmem_shared>> -> memref<128x128xf32, #tpu.memory_space<vmem_shared>>
      %dma_wait3A_63 = arith.constant 0 : i32
      %dma_wait3A_64 = tpu.memref_slice %arg7[%add3A_9, %dma_wait3A_63] : memref<10240x128xf32, #tpu.memory_space<vmem_shared>> -> memref<128x128xf32, #tpu.memory_space<vmem_shared>>
      tpu.wait_dma2 semaphore(%run_scoped3A : memref<!tpu.dma_semaphore, #tpu.memory_space<semaphore_mem>>) src(%arg11 : memref<128x128xf32, #tpu.memory_space<vmem>>) dst(%dma_wait3A_64 : memref<128x128xf32, #tpu.memory_space<vmem_shared>>)
      tpu.yield
    }) : () -> ()
    %mul3A_10 = arith.constant 163840 : i32
    %mul3A_11 = arith.muli %arg0, %mul3A_10 : i32
    %mul3A_12 = arith.constant 10240 : i32
    %mul3A_13 = arith.muli %arg1, %mul3A_12 : i32
    %add3A_14 = arith.addi %mul3A_11, %mul3A_13 : i32
    "tpu.region"() ({
      %run_scoped3A = tpu.sem_alloc : memref<!tpu.dma_semaphore, #tpu.memory_space<semaphore_mem>>
      %dma_start3A_58 = tpu.memref_slice %arg3[%add3A_14] : memref<327680xi32, #tpu.memory_space<hbm>> -> memref<10240xi32, #tpu.memory_space<hbm>>
      %dma_start3A_59 = tpu.memref_slice %arg3[%add3A_14] : memref<327680xi32, #tpu.memory_space<hbm>> -> memref<10240xi32, #tpu.memory_space<hbm>>
      tpu.enqueue_dma source(%dma_start3A_59 : memref<10240xi32, #tpu.memory_space<hbm>>) target(%arg8 : memref<10240xi32, #tpu.memory_space<vmem>>) target_semaphore(%run_scoped3A : memref<!tpu.dma_semaphore, #tpu.memory_space<semaphore_mem>>)
      %dma_wait3A = tpu.memref_slice %arg3[%add3A_14] : memref<327680xi32, #tpu.memory_space<hbm>> -> memref<10240xi32, #tpu.memory_space<hbm>>
      %dma_wait3A_60 = tpu.memref_slice %arg3[%add3A_14] : memref<327680xi32, #tpu.memory_space<hbm>> -> memref<10240xi32, #tpu.memory_space<hbm>>
      tpu.wait_dma2 semaphore(%run_scoped3A : memref<!tpu.dma_semaphore, #tpu.memory_space<semaphore_mem>>) src(%dma_wait3A_60 : memref<10240xi32, #tpu.memory_space<hbm>>) dst(%arg8 : memref<10240xi32, #tpu.memory_space<vmem>>)
      tpu.yield
    }) : () -> ()
    %barrier3A = arith.constant 0 : index
    tpu.barrier barrier_id(%barrier3A)
    %mul3A_15 = arith.constant 80 : i32
    %mul3A_16 = arith.muli %arg1, %mul3A_15 : i32
    %add3A_17 = arith.constant 0 : i32
    %add3A_18 = arith.addi %mul3A_16, %add3A_17 : i32
    %mul3A_19 = arith.constant 128 : i32
    %mul3A_20 = arith.muli %add3A_18, %mul3A_19 : i32
    %dma_start3A = tpu.memref_slice %arg4[%mul3A_20] : memref<163840xi32, #tpu.memory_space<hbm>> -> memref<128xi32, #tpu.memory_space<hbm>>
    %dma_start3A_21 = tpu.memref_slice %arg4[%mul3A_20] : memref<163840xi32, #tpu.memory_space<hbm>> -> memref<128xi32, #tpu.memory_space<hbm>>
    tpu.enqueue_dma source(%dma_start3A_21 : memref<128xi32, #tpu.memory_space<hbm>>) target(%arg9 : memref<128xi32, #tpu.memory_space<vmem>>) target_semaphore(%arg15 : memref<!tpu.dma_semaphore, #tpu.memory_space<semaphore_mem>>)
    %dma_start3A_22 = arith.constant 0 : i32
    %dma_start3A_23 = tpu.memref_slice %arg8[%dma_start3A_22] : memref<10240xi32, #tpu.memory_space<vmem>> -> memref<128xi32, #tpu.memory_space<vmem>>
    %dma_start3A_24 = arith.constant 0 : i32
    %dma_start3A_25 = arith.constant 0 : i32
    %dma_start3A_26 = tpu.memref_slice %arg2[%dma_start3A_24, %dma_start3A_25] : memref<20000x128xf32, #tpu.memory_space<hbm>> -> memref<20000x128xf32, #tpu.memory_space<hbm>>
    tpu.enqueue_indirect_dma source(%dma_start3A_26 : memref<20000x128xf32, #tpu.memory_space<hbm>>) target(%arg11 : memref<128x128xf32, #tpu.memory_space<vmem>>) offsets(%dma_start3A_23 : memref<128xi32, #tpu.memory_space<vmem>>) semaphore(%arg13 : memref<!tpu.dma_semaphore, #tpu.memory_space<semaphore_mem>>)
    %scan3A = arith.constant 0 : i32
    %scan3A_27 = arith.constant 0 : i32
    %scan3A_28 = arith.constant 40 : i32
    %scan3A_29 = arith.addi %scan3A_27, %scan3A_28 : i32
    %scan3A_30 = arith.constant 1 : i32
    scf.for %scan3A_58 = %scan3A_27 to %scan3A_29 step %scan3A_30  : i32 {
      %mul3A_59 = arith.constant 2 : i32
      %mul3A_60 = arith.muli %mul3A_59, %scan3A_58 : i32
      %mul3A_61 = arith.constant 2 : i32
      %mul3A_62 = arith.muli %mul3A_61, %scan3A_58 : i32
      %add3A_63 = arith.constant 1 : i32
      %add3A_64 = arith.addi %mul3A_62, %add3A_63 : i32
      %mul3A_65 = arith.constant 80 : i32
      %mul3A_66 = arith.muli %arg1, %mul3A_65 : i32
      %add3A_67 = arith.addi %mul3A_66, %add3A_64 : i32
      %mul3A_68 = arith.constant 128 : i32
      %mul3A_69 = arith.muli %add3A_67, %mul3A_68 : i32
      %dma_start3A_70 = tpu.memref_slice %arg4[%mul3A_69] : memref<163840xi32, #tpu.memory_space<hbm>> -> memref<128xi32, #tpu.memory_space<hbm>>
      %dma_start3A_71 = tpu.memref_slice %arg4[%mul3A_69] : memref<163840xi32, #tpu.memory_space<hbm>> -> memref<128xi32, #tpu.memory_space<hbm>>
      tpu.enqueue_dma source(%dma_start3A_71 : memref<128xi32, #tpu.memory_space<hbm>>) target(%arg10 : memref<128xi32, #tpu.memory_space<vmem>>) target_semaphore(%arg16 : memref<!tpu.dma_semaphore, #tpu.memory_space<semaphore_mem>>)
      %mul3A_72 = arith.constant 128 : i32
      %mul3A_73 = arith.muli %add3A_64, %mul3A_72 : i32
      %dma_start3A_74 = tpu.memref_slice %arg8[%mul3A_73] : memref<10240xi32, #tpu.memory_space<vmem>> -> memref<128xi32, #tpu.memory_space<vmem>>
      %dma_start3A_75 = arith.constant 0 : i32
      %dma_start3A_76 = arith.constant 0 : i32
      %dma_start3A_77 = tpu.memref_slice %arg2[%dma_start3A_75, %dma_start3A_76] : memref<20000x128xf32, #tpu.memory_space<hbm>> -> memref<20000x128xf32, #tpu.memory_space<hbm>>
      tpu.enqueue_indirect_dma source(%dma_start3A_77 : memref<20000x128xf32, #tpu.memory_space<hbm>>) target(%arg12 : memref<128x128xf32, #tpu.memory_space<vmem>>) offsets(%dma_start3A_74 : memref<128xi32, #tpu.memory_space<vmem>>) semaphore(%arg14 : memref<!tpu.dma_semaphore, #tpu.memory_space<semaphore_mem>>)
      %mul3A_78 = arith.constant 80 : i32
      %mul3A_79 = arith.muli %arg1, %mul3A_78 : i32
      %add3A_80 = arith.addi %mul3A_79, %mul3A_60 : i32
      %mul3A_81 = arith.constant 128 : i32
      %mul3A_82 = arith.muli %add3A_80, %mul3A_81 : i32
      %dma_wait3A = tpu.memref_slice %arg4[%mul3A_82] : memref<163840xi32, #tpu.memory_space<hbm>> -> memref<128xi32, #tpu.memory_space<hbm>>
      %dma_wait3A_83 = tpu.memref_slice %arg4[%mul3A_82] : memref<163840xi32, #tpu.memory_space<hbm>> -> memref<128xi32, #tpu.memory_space<hbm>>
      tpu.wait_dma2 semaphore(%arg15 : memref<!tpu.dma_semaphore, #tpu.memory_space<semaphore_mem>>) src(%dma_wait3A_83 : memref<128xi32, #tpu.memory_space<hbm>>) dst(%arg9 : memref<128xi32, #tpu.memory_space<vmem>>)
      %mul3A_84 = arith.constant 128 : i32
      %mul3A_85 = arith.muli %mul3A_60, %mul3A_84 : i32
      %dma_wait3A_86 = tpu.memref_slice %arg8[%mul3A_85] : memref<10240xi32, #tpu.memory_space<vmem>> -> memref<128xi32, #tpu.memory_space<vmem>>
      %dma_wait3A_87 = arith.constant 0 : i32
      %dma_wait3A_88 = arith.constant 0 : i32
      %dma_wait3A_89 = tpu.memref_slice %arg2[%dma_wait3A_87, %dma_wait3A_88] : memref<20000x128xf32, #tpu.memory_space<hbm>> -> memref<20000x128xf32, #tpu.memory_space<hbm>>
      tpu.wait_indirect_dma semaphore(%arg13 : memref<!tpu.dma_semaphore, #tpu.memory_space<semaphore_mem>>) src(%dma_wait3A_89 : memref<20000x128xf32, #tpu.memory_space<hbm>>) dst(%arg11 : memref<128x128xf32, #tpu.memory_space<vmem>>)
      "tpu.region"() ({
        %run_scoped3A = tpu.sem_alloc : memref<!tpu.dma_semaphore, #tpu.memory_space<semaphore_mem>>
        %dma_start3A_105 = arith.constant 0 : i32
        %dma_start3A_106 = arith.constant 0 : i32
        %dma_start3A_107 = tpu.memref_slice %arg7[%dma_start3A_105, %dma_start3A_106] : memref<10240x128xf32, #tpu.memory_space<vmem_shared>> -> memref<10240x128xf32, #tpu.memory_space<vmem_shared>>
        tpu.enqueue_indirect_dma source(%arg11 : memref<128x128xf32, #tpu.memory_space<vmem>>) target(%dma_start3A_107 : memref<10240x128xf32, #tpu.memory_space<vmem_shared>>) offsets(%arg9 : memref<128xi32, #tpu.memory_space<vmem>>) semaphore(%run_scoped3A : memref<!tpu.dma_semaphore, #tpu.memory_space<semaphore_mem>>) {add = true}
        %dma_wait3A_108 = arith.constant 0 : i32
        %dma_wait3A_109 = arith.constant 0 : i32
        %dma_wait3A_110 = tpu.memref_slice %arg7[%dma_wait3A_108, %dma_wait3A_109] : memref<10240x128xf32, #tpu.memory_space<vmem_shared>> -> memref<10240x128xf32, #tpu.memory_space<vmem_shared>>
        tpu.wait_indirect_dma semaphore(%run_scoped3A : memref<!tpu.dma_semaphore, #tpu.memory_space<semaphore_mem>>) src(%arg11 : memref<128x128xf32, #tpu.memory_space<vmem>>) dst(%dma_wait3A_110 : memref<10240x128xf32, #tpu.memory_space<vmem_shared>>)
        tpu.yield
      }) : () -> ()
      %lt3A = arith.constant 39 : i32
      %lt3A_90 = arith.cmpi slt, %scan3A_58, %lt3A : i32
      %convert_element_type3A = arith.extui %lt3A_90 : i1 to i32
      %cond3A = arith.constant 0 : i32
      %cond3A_91 = arith.cmpi ne, %convert_element_type3A, %cond3A : i32
      scf.if %cond3A_91 {
        %add3A_105 = arith.constant 2 : i32
        %add3A_106 = arith.addi %mul3A_60, %add3A_105 : i32
        %mul3A_107 = arith.constant 80 : i32
        %mul3A_108 = arith.muli %arg1, %mul3A_107 : i32
        %add3A_109 = arith.addi %mul3A_108, %add3A_106 : i32
        %mul3A_110 = arith.constant 128 : i32
        %mul3A_111 = arith.muli %add3A_109, %mul3A_110 : i32
        %dma_start3A_112 = tpu.memref_slice %arg4[%mul3A_111] : memref<163840xi32, #tpu.memory_space<hbm>> -> memref<128xi32, #tpu.memory_space<hbm>>
        %dma_start3A_113 = tpu.memref_slice %arg4[%mul3A_111] : memref<163840xi32, #tpu.memory_space<hbm>> -> memref<128xi32, #tpu.memory_space<hbm>>
        tpu.enqueue_dma source(%dma_start3A_113 : memref<128xi32, #tpu.memory_space<hbm>>) target(%arg9 : memref<128xi32, #tpu.memory_space<vmem>>) target_semaphore(%arg15 : memref<!tpu.dma_semaphore, #tpu.memory_space<semaphore_mem>>)
        %add3A_114 = arith.constant 2 : i32
        %add3A_115 = arith.addi %mul3A_60, %add3A_114 : i32
        %mul3A_116 = arith.constant 128 : i32
        %mul3A_117 = arith.muli %add3A_115, %mul3A_116 : i32
        %dma_start3A_118 = tpu.memref_slice %arg8[%mul3A_117] : memref<10240xi32, #tpu.memory_space<vmem>> -> memref<128xi32, #tpu.memory_space<vmem>>
        %dma_start3A_119 = arith.constant 0 : i32
        %dma_start3A_120 = arith.constant 0 : i32
        %dma_start3A_121 = tpu.memref_slice %arg2[%dma_start3A_119, %dma_start3A_120] : memref<20000x128xf32, #tpu.memory_space<hbm>> -> memref<20000x128xf32, #tpu.memory_space<hbm>>
        tpu.enqueue_indirect_dma source(%dma_start3A_121 : memref<20000x128xf32, #tpu.memory_space<hbm>>) target(%arg11 : memref<128x128xf32, #tpu.memory_space<vmem>>) offsets(%dma_start3A_118 : memref<128xi32, #tpu.memory_space<vmem>>) semaphore(%arg13 : memref<!tpu.dma_semaphore, #tpu.memory_space<semaphore_mem>>)
      } else {
      }
      %mul3A_92 = arith.constant 80 : i32
      %mul3A_93 = arith.muli %arg1, %mul3A_92 : i32
      %add3A_94 = arith.addi %mul3A_93, %add3A_64 : i32
      %mul3A_95 = arith.constant 128 : i32
      %mul3A_96 = arith.muli %add3A_94, %mul3A_95 : i32
      %dma_wait3A_97 = tpu.memref_slice %arg4[%mul3A_96] : memref<163840xi32, #tpu.memory_space<hbm>> -> memref<128xi32, #tpu.memory_space<hbm>>
      %dma_wait3A_98 = tpu.memref_slice %arg4[%mul3A_96] : memref<163840xi32, #tpu.memory_space<hbm>> -> memref<128xi32, #tpu.memory_space<hbm>>
      tpu.wait_dma2 semaphore(%arg16 : memref<!tpu.dma_semaphore, #tpu.memory_space<semaphore_mem>>) src(%dma_wait3A_98 : memref<128xi32, #tpu.memory_space<hbm>>) dst(%arg10 : memref<128xi32, #tpu.memory_space<vmem>>)
      %mul3A_99 = arith.constant 128 : i32
      %mul3A_100 = arith.muli %add3A_64, %mul3A_99 : i32
      %dma_wait3A_101 = tpu.memref_slice %arg8[%mul3A_100] : memref<10240xi32, #tpu.memory_space<vmem>> -> memref<128xi32, #tpu.memory_space<vmem>>
      %dma_wait3A_102 = arith.constant 0 : i32
      %dma_wait3A_103 = arith.constant 0 : i32
      %dma_wait3A_104 = tpu.memref_slice %arg2[%dma_wait3A_102, %dma_wait3A_103] : memref<20000x128xf32, #tpu.memory_space<hbm>> -> memref<20000x128xf32, #tpu.memory_space<hbm>>
      tpu.wait_indirect_dma semaphore(%arg14 : memref<!tpu.dma_semaphore, #tpu.memory_space<semaphore_mem>>) src(%dma_wait3A_104 : memref<20000x128xf32, #tpu.memory_space<hbm>>) dst(%arg12 : memref<128x128xf32, #tpu.memory_space<vmem>>)
      "tpu.region"() ({
        %run_scoped3A = tpu.sem_alloc : memref<!tpu.dma_semaphore, #tpu.memory_space<semaphore_mem>>
        %dma_start3A_105 = arith.constant 0 : i32
        %dma_start3A_106 = arith.constant 0 : i32
        %dma_start3A_107 = tpu.memref_slice %arg7[%dma_start3A_105, %dma_start3A_106] : memref<10240x128xf32, #tpu.memory_space<vmem_shared>> -> memref<10240x128xf32, #tpu.memory_space<vmem_shared>>
        tpu.enqueue_indirect_dma source(%arg12 : memref<128x128xf32, #tpu.memory_space<vmem>>) target(%dma_start3A_107 : memref<10240x128xf32, #tpu.memory_space<vmem_shared>>) offsets(%arg10 : memref<128xi32, #tpu.memory_space<vmem>>) semaphore(%run_scoped3A : memref<!tpu.dma_semaphore, #tpu.memory_space<semaphore_mem>>) {add = true}
        %dma_wait3A_108 = arith.constant 0 : i32
        %dma_wait3A_109 = arith.constant 0 : i32
        %dma_wait3A_110 = tpu.memref_slice %arg7[%dma_wait3A_108, %dma_wait3A_109] : memref<10240x128xf32, #tpu.memory_space<vmem_shared>> -> memref<10240x128xf32, #tpu.memory_space<vmem_shared>>
        tpu.wait_indirect_dma semaphore(%run_scoped3A : memref<!tpu.dma_semaphore, #tpu.memory_space<semaphore_mem>>) src(%arg12 : memref<128x128xf32, #tpu.memory_space<vmem>>) dst(%dma_wait3A_110 : memref<10240x128xf32, #tpu.memory_space<vmem_shared>>)
        tpu.yield
      }) : () -> ()
    }
    %scan3A_31 = arith.constant 40 : i32
    %barrier3A_32 = arith.constant 0 : index
    tpu.barrier barrier_id(%barrier3A_32)
    %add3A_33 = arith.constant 0 : i32
    %add3A_34 = arith.addi %mul3A_0, %add3A_33 : i32
    %mul3A_35 = arith.constant 10240 : i32
    %mul3A_36 = arith.muli %arg0, %mul3A_35 : i32
    %add3A_37 = arith.addi %mul3A_36, %add3A_34 : i32
    "tpu.region"() ({
      %run_scoped3A = tpu.sem_alloc : memref<!tpu.dma_semaphore, #tpu.memory_space<semaphore_mem>>
      %dma_start3A_58 = arith.constant 0 : i32
      %dma_start3A_59 = tpu.memref_slice %arg6[%add3A_37, %dma_start3A_58] : memref<20480x128xf32, #tpu.memory_space<hbm>> -> memref<128x128xf32, #tpu.memory_space<hbm>>
      %dma_start3A_60 = arith.constant 0 : i32
      %dma_start3A_61 = tpu.memref_slice %arg7[%add3A_34, %dma_start3A_60] : memref<10240x128xf32, #tpu.memory_space<vmem_shared>> -> memref<128x128xf32, #tpu.memory_space<vmem_shared>>
      tpu.enqueue_dma source(%dma_start3A_61 : memref<128x128xf32, #tpu.memory_space<vmem_shared>>) target(%dma_start3A_59 : memref<128x128xf32, #tpu.memory_space<hbm>>) target_semaphore(%run_scoped3A : memref<!tpu.dma_semaphore, #tpu.memory_space<semaphore_mem>>)
      %dma_wait3A = arith.constant 0 : i32
      %dma_wait3A_62 = tpu.memref_slice %arg6[%add3A_37, %dma_wait3A] : memref<20480x128xf32, #tpu.memory_space<hbm>> -> memref<128x128xf32, #tpu.memory_space<hbm>>
      %dma_wait3A_63 = arith.constant 0 : i32
      %dma_wait3A_64 = tpu.memref_slice %arg7[%add3A_34, %dma_wait3A_63] : memref<10240x128xf32, #tpu.memory_space<vmem_shared>> -> memref<128x128xf32, #tpu.memory_space<vmem_shared>>
      tpu.wait_dma2 semaphore(%run_scoped3A : memref<!tpu.dma_semaphore, #tpu.memory_space<semaphore_mem>>) src(%dma_wait3A_64 : memref<128x128xf32, #tpu.memory_space<vmem_shared>>) dst(%dma_wait3A_62 : memref<128x128xf32, #tpu.memory_space<hbm>>)
      tpu.yield
    }) : () -> ()
    %add3A_38 = arith.constant 128 : i32
    %add3A_39 = arith.addi %mul3A_0, %add3A_38 : i32
    %mul3A_40 = arith.constant 10240 : i32
    %mul3A_41 = arith.muli %arg0, %mul3A_40 : i32
    %add3A_42 = arith.addi %mul3A_41, %add3A_39 : i32
    "tpu.region"() ({
      %run_scoped3A = tpu.sem_alloc : memref<!tpu.dma_semaphore, #tpu.memory_space<semaphore_mem>>
      %dma_start3A_58 = arith.constant 0 : i32
      %dma_start3A_59 = tpu.memref_slice %arg6[%add3A_42, %dma_start3A_58] : memref<20480x128xf32, #tpu.memory_space<hbm>> -> memref<128x128xf32, #tpu.memory_space<hbm>>
      %dma_start3A_60 = arith.constant 0 : i32
      %dma_start3A_61 = tpu.memref_slice %arg7[%add3A_39, %dma_start3A_60] : memref<10240x128xf32, #tpu.memory_space<vmem_shared>> -> memref<128x128xf32, #tpu.memory_space<vmem_shared>>
      tpu.enqueue_dma source(%dma_start3A_61 : memref<128x128xf32, #tpu.memory_space<vmem_shared>>) target(%dma_start3A_59 : memref<128x128xf32, #tpu.memory_space<hbm>>) target_semaphore(%run_scoped3A : memref<!tpu.dma_semaphore, #tpu.memory_space<semaphore_mem>>)
      %dma_wait3A = arith.constant 0 : i32
      %dma_wait3A_62 = tpu.memref_slice %arg6[%add3A_42, %dma_wait3A] : memref<20480x128xf32, #tpu.memory_space<hbm>> -> memref<128x128xf32, #tpu.memory_space<hbm>>
      %dma_wait3A_63 = arith.constant 0 : i32
      %dma_wait3A_64 = tpu.memref_slice %arg7[%add3A_39, %dma_wait3A_63] : memref<10240x128xf32, #tpu.memory_space<vmem_shared>> -> memref<128x128xf32, #tpu.memory_space<vmem_shared>>
      tpu.wait_dma2 semaphore(%run_scoped3A : memref<!tpu.dma_semaphore, #tpu.memory_space<semaphore_mem>>) src(%dma_wait3A_64 : memref<128x128xf32, #tpu.memory_space<vmem_shared>>) dst(%dma_wait3A_62 : memref<128x128xf32, #tpu.memory_space<hbm>>)
      tpu.yield
    }) : () -> ()
    %add3A_43 = arith.constant 256 : i32
    %add3A_44 = arith.addi %mul3A_0, %add3A_43 : i32
    %mul3A_45 = arith.constant 10240 : i32
    %mul3A_46 = arith.muli %arg0, %mul3A_45 : i32
    %add3A_47 = arith.addi %mul3A_46, %add3A_44 : i32
    "tpu.region"() ({
      %run_scoped3A = tpu.sem_alloc : memref<!tpu.dma_semaphore, #tpu.memory_space<semaphore_mem>>
      %dma_start3A_58 = arith.constant 0 : i32
      %dma_start3A_59 = tpu.memref_slice %arg6[%add3A_47, %dma_start3A_58] : memref<20480x128xf32, #tpu.memory_space<hbm>> -> memref<128x128xf32, #tpu.memory_space<hbm>>
      %dma_start3A_60 = arith.constant 0 : i32
      %dma_start3A_61 = tpu.memref_slice %arg7[%add3A_44, %dma_start3A_60] : memref<10240x128xf32, #tpu.memory_space<vmem_shared>> -> memref<128x128xf32, #tpu.memory_space<vmem_shared>>
      tpu.enqueue_dma source(%dma_start3A_61 : memref<128x128xf32, #tpu.memory_space<vmem_shared>>) target(%dma_start3A_59 : memref<128x128xf32, #tpu.memory_space<hbm>>) target_semaphore(%run_scoped3A : memref<!tpu.dma_semaphore, #tpu.memory_space<semaphore_mem>>)
      %dma_wait3A = arith.constant 0 : i32
      %dma_wait3A_62 = tpu.memref_slice %arg6[%add3A_47, %dma_wait3A] : memref<20480x128xf32, #tpu.memory_space<hbm>> -> memref<128x128xf32, #tpu.memory_space<hbm>>
      %dma_wait3A_63 = arith.constant 0 : i32
      %dma_wait3A_64 = tpu.memref_slice %arg7[%add3A_44, %dma_wait3A_63] : memref<10240x128xf32, #tpu.memory_space<vmem_shared>> -> memref<128x128xf32, #tpu.memory_space<vmem_shared>>
      tpu.wait_dma2 semaphore(%run_scoped3A : memref<!tpu.dma_semaphore, #tpu.memory_space<semaphore_mem>>) src(%dma_wait3A_64 : memref<128x128xf32, #tpu.memory_space<vmem_shared>>) dst(%dma_wait3A_62 : memref<128x128xf32, #tpu.memory_space<hbm>>)
      tpu.yield
    }) : () -> ()
    %add3A_48 = arith.constant 384 : i32
    %add3A_49 = arith.addi %mul3A_0, %add3A_48 : i32
    %mul3A_50 = arith.constant 10240 : i32
    %mul3A_51 = arith.muli %arg0, %mul3A_50 : i32
    %add3A_52 = arith.addi %mul3A_51, %add3A_49 : i32
    "tpu.region"() ({
      %run_scoped3A = tpu.sem_alloc : memref<!tpu.dma_semaphore, #tpu.memory_space<semaphore_mem>>
      %dma_start3A_58 = arith.constant 0 : i32
      %dma_start3A_59 = tpu.memref_slice %arg6[%add3A_52, %dma_start3A_58] : memref<20480x128xf32, #tpu.memory_space<hbm>> -> memref<128x128xf32, #tpu.memory_space<hbm>>
      %dma_start3A_60 = arith.constant 0 : i32
      %dma_start3A_61 = tpu.memref_slice %arg7[%add3A_49, %dma_start3A_60] : memref<10240x128xf32, #tpu.memory_space<vmem_shared>> -> memref<128x128xf32, #tpu.memory_space<vmem_shared>>
      tpu.enqueue_dma source(%dma_start3A_61 : memref<128x128xf32, #tpu.memory_space<vmem_shared>>) target(%dma_start3A_59 : memref<128x128xf32, #tpu.memory_space<hbm>>) target_semaphore(%run_scoped3A : memref<!tpu.dma_semaphore, #tpu.memory_space<semaphore_mem>>)
      %dma_wait3A = arith.constant 0 : i32
      %dma_wait3A_62 = tpu.memref_slice %arg6[%add3A_52, %dma_wait3A] : memref<20480x128xf32, #tpu.memory_space<hbm>> -> memref<128x128xf32, #tpu.memory_space<hbm>>
      %dma_wait3A_63 = arith.constant 0 : i32
      %dma_wait3A_64 = tpu.memref_slice %arg7[%add3A_49, %dma_wait3A_63] : memref<10240x128xf32, #tpu.memory_space<vmem_shared>> -> memref<128x128xf32, #tpu.memory_space<vmem_shared>>
      tpu.wait_dma2 semaphore(%run_scoped3A : memref<!tpu.dma_semaphore, #tpu.memory_space<semaphore_mem>>) src(%dma_wait3A_64 : memref<128x128xf32, #tpu.memory_space<vmem_shared>>) dst(%dma_wait3A_62 : memref<128x128xf32, #tpu.memory_space<hbm>>)
      tpu.yield
    }) : () -> ()
    %add3A_53 = arith.constant 512 : i32
    %add3A_54 = arith.addi %mul3A_0, %add3A_53 : i32
    %mul3A_55 = arith.constant 10240 : i32
    %mul3A_56 = arith.muli %arg0, %mul3A_55 : i32
    %add3A_57 = arith.addi %mul3A_56, %add3A_54 : i32
    "tpu.region"() ({
      %run_scoped3A = tpu.sem_alloc : memref<!tpu.dma_semaphore, #tpu.memory_space<semaphore_mem>>
      %dma_start3A_58 = arith.constant 0 : i32
      %dma_start3A_59 = tpu.memref_slice %arg6[%add3A_57, %dma_start3A_58] : memref<20480x128xf32, #tpu.memory_space<hbm>> -> memref<128x128xf32, #tpu.memory_space<hbm>>
      %dma_start3A_60 = arith.constant 0 : i32
      %dma_start3A_61 = tpu.memref_slice %arg7[%add3A_54, %dma_start3A_60] : memref<10240x128xf32, #tpu.memory_space<vmem_shared>> -> memref<128x128xf32, #tpu.memory_space<vmem_shared>>
      tpu.enqueue_dma source(%dma_start3A_61 : memref<128x128xf32, #tpu.memory_space<vmem_shared>>) target(%dma_start3A_59 : memref<128x128xf32, #tpu.memory_space<hbm>>) target_semaphore(%run_scoped3A : memref<!tpu.dma_semaphore, #tpu.memory_space<semaphore_mem>>)
      %dma_wait3A = arith.constant 0 : i32
      %dma_wait3A_62 = tpu.memref_slice %arg6[%add3A_57, %dma_wait3A] : memref<20480x128xf32, #tpu.memory_space<hbm>> -> memref<128x128xf32, #tpu.memory_space<hbm>>
      %dma_wait3A_63 = arith.constant 0 : i32
      %dma_wait3A_64 = tpu.memref_slice %arg7[%add3A_54, %dma_wait3A_63] : memref<10240x128xf32, #tpu.memory_space<vmem_shared>> -> memref<128x128xf32, #tpu.memory_space<vmem_shared>>
      tpu.wait_dma2 semaphore(%run_scoped3A : memref<!tpu.dma_semaphore, #tpu.memory_space<semaphore_mem>>) src(%dma_wait3A_64 : memref<128x128xf32, #tpu.memory_space<vmem_shared>>) dst(%dma_wait3A_62 : memref<128x128xf32, #tpu.memory_space<hbm>>)
      tpu.yield
    }) : () -> ()
    return
  }
}

module attributes {stable_mosaic.version = 14 : i64} {
  func.func @_lin1_kernel(%arg0: i32, %arg1: memref<2000x256xf32, #tpu.memory_space<vmem>>, %arg2: memref<256x256xf32, #tpu.memory_space<vmem>>, %arg3: memref<1x256xf32, #tpu.memory_space<vmem>>, %arg4: memref<256x256xf32, #tpu.memory_space<vmem>>, %arg5: memref<2x2000x128xf32, #tpu.memory_space<vmem>>, %arg6: memref<2000x256xf32, #tpu.memory_space<vmem>>) attributes {dimension_semantics = [#tpu.dimension_semantics<arbitrary>], iteration_bounds = array<i64: 5>, scalar_prefetch = 0 : i64, scratch_operands = 0 : i64, tpu.core_type = #tpu.core_type<tc>, window_params = [{transform_indices = @transform_0, window_bounds = array<i64: 2000, 256>}, {pipeline_mode = #tpu.pipeline_mode<synchronous>, transform_indices = @transform_1, window_bounds = array<i64: 256, 256>}, {pipeline_mode = #tpu.pipeline_mode<synchronous>, transform_indices = @transform_2, window_bounds = array<i64: 1, 256>}, {pipeline_mode = #tpu.pipeline_mode<synchronous>, transform_indices = @transform_3, window_bounds = array<i64: 256, 256>}, {transform_indices = @transform_4, window_bounds = array<i64: 2, 2000, 128>}, {transform_indices = @transform_5, window_bounds = array<i64: 2000, 256>}]} {
    %get3A = arith.constant 0 : index
    %get3A_0 = arith.constant 0 : index
    %get3A_1 = vector.load %arg1[%get3A, %get3A_0] : memref<2000x256xf32, #tpu.memory_space<vmem>>, vector<2000x256xf32>
    %get3A_2 = arith.constant 0 : index
    %get3A_3 = arith.constant 0 : index
    %get3A_4 = vector.load %arg2[%get3A_2, %get3A_3] : memref<256x256xf32, #tpu.memory_space<vmem>>, vector<256x256xf32>
    %dot_general3A = arith.constant dense<0.000000e+00> : vector<2000x256xf32>
    %dot_general3A_5 = tpu.matmul %get3A_1, %get3A_4, %dot_general3A {dimension_numbers = #tpu.dot_dimension_numbers<[1], [1], [0], [0], [0, 0, 1, 0], [], []>, transpose_lhs_hint = false} : vector<2000x256xf32>, vector<256x256xf32>, vector<2000x256xf32> -> vector<2000x256xf32>
    %get3A_6 = arith.constant 0 : index
    %get3A_7 = arith.constant 0 : index
    %get3A_8 = vector.load %arg3[%get3A_6, %get3A_7] : memref<1x256xf32, #tpu.memory_space<vmem>>, vector<1x256xf32>
    %add3A = vector.broadcast %get3A_8 : vector<1x256xf32> to vector<2000x256xf32>
    %add3A_9 = arith.addf %dot_general3A_5, %add3A : vector<2000x256xf32>
    %slice3A = vector.extract_strided_slice %add3A_9 {offsets = [0, 0], sizes = [2000, 128], strides = [1, 1]} : vector<2000x256xf32> to vector<2000x128xf32>
    %swap3A = arith.constant 0 : index
    %swap3A_10 = arith.constant 0 : index
    %swap3A_11 = arith.constant 0 : index
    %swap3A_12 = vector.load %arg5[%swap3A, %swap3A_10, %swap3A_11] : memref<2x2000x128xf32, #tpu.memory_space<vmem>>, vector<1x2000x128xf32>
    %swap3A_13 = vector.shape_cast %swap3A_12 : vector<1x2000x128xf32> to vector<2000x128xf32>
    %swap3A_14 = vector.shape_cast %slice3A : vector<2000x128xf32> to vector<1x2000x128xf32>
    tpu.vector_store %arg5[%swap3A, %swap3A_10, %swap3A_11], %swap3A_14 {strides = array<i32>} : memref<2x2000x128xf32, #tpu.memory_space<vmem>>, vector<1x2000x128xf32>,
    %slice3A_15 = vector.extract_strided_slice %add3A_9 {offsets = [0, 128], sizes = [2000, 128], strides = [1, 1]} : vector<2000x256xf32> to vector<2000x128xf32>
    %swap3A_16 = arith.constant 1 : index
    %swap3A_17 = arith.constant 0 : index
    %swap3A_18 = arith.constant 0 : index
    %swap3A_19 = vector.load %arg5[%swap3A_16, %swap3A_17, %swap3A_18] : memref<2x2000x128xf32, #tpu.memory_space<vmem>>, vector<1x2000x128xf32>
    %swap3A_20 = vector.shape_cast %swap3A_19 : vector<1x2000x128xf32> to vector<2000x128xf32>
    %swap3A_21 = vector.shape_cast %slice3A_15 : vector<2000x128xf32> to vector<1x2000x128xf32>
    tpu.vector_store %arg5[%swap3A_16, %swap3A_17, %swap3A_18], %swap3A_21 {strides = array<i32>} : memref<2x2000x128xf32, #tpu.memory_space<vmem>>, vector<1x2000x128xf32>,
    %get3A_22 = arith.constant 0 : index
    %get3A_23 = arith.constant 0 : index
    %get3A_24 = vector.load %arg4[%get3A_22, %get3A_23] : memref<256x256xf32, #tpu.memory_space<vmem>>, vector<256x256xf32>
    %dot_general3A_25 = arith.constant dense<0.000000e+00> : vector<2000x256xf32>
    %dot_general3A_26 = tpu.matmul %get3A_1, %get3A_24, %dot_general3A_25 {dimension_numbers = #tpu.dot_dimension_numbers<[1], [1], [0], [0], [0, 0, 1, 0], [], []>, transpose_lhs_hint = false} : vector<2000x256xf32>, vector<256x256xf32>, vector<2000x256xf32> -> vector<2000x256xf32>
    %swap3A_27 = arith.constant 0 : index
    %swap3A_28 = arith.constant 0 : index
    %swap3A_29 = vector.load %arg6[%swap3A_27, %swap3A_28] : memref<2000x256xf32, #tpu.memory_space<vmem>>, vector<2000x256xf32>
    tpu.vector_store %arg6[%swap3A_27, %swap3A_28], %dot_general3A_26 {strides = array<i32>} : memref<2000x256xf32, #tpu.memory_space<vmem>>, vector<2000x256xf32>,
    return
  }
  func.func @transform_0(%arg0: i32) -> (i32, i32) {
    %c0_i32 = arith.constant 0 : i32
    %c0_i32_0 = arith.constant 0 : i32
    return %arg0, %c0_i32 : i32, i32
  }
  func.func @transform_1(%arg0: i32) -> (i32, i32) {
    %c0_i32 = arith.constant 0 : i32
    %c0_i32_0 = arith.constant 0 : i32
    %c0_i32_1 = arith.constant 0 : i32
    return %c0_i32, %c0_i32_0 : i32, i32
  }
  func.func @transform_2(%arg0: i32) -> (i32, i32) {
    %c0_i32 = arith.constant 0 : i32
    %c0_i32_0 = arith.constant 0 : i32
    %c0_i32_1 = arith.constant 0 : i32
    return %c0_i32, %c0_i32_0 : i32, i32
  }
  func.func @transform_3(%arg0: i32) -> (i32, i32) {
    %c0_i32 = arith.constant 0 : i32
    %c0_i32_0 = arith.constant 0 : i32
    %c0_i32_1 = arith.constant 0 : i32
    return %c0_i32, %c0_i32_0 : i32, i32
  }
  func.func @transform_4(%arg0: i32) -> (i32, i32, i32) {
    %c0_i32 = arith.constant 0 : i32
    %c0_i32_0 = arith.constant 0 : i32
    %c0_i32_1 = arith.constant 0 : i32
    return %c0_i32, %arg0, %c0_i32_0 : i32, i32, i32
  }
  func.func @transform_5(%arg0: i32) -> (i32, i32) {
    %c0_i32 = arith.constant 0 : i32
    %c0_i32_0 = arith.constant 0 : i32
    return %arg0, %c0_i32 : i32, i32
  }
}

module attributes {stable_mosaic.version = 14 : i64} {
  func.func @_mid_kernel(%arg0: i32, %arg1: memref<2x2000x128xf32, #tpu.memory_space<vmem>>, %arg2: memref<2x2000x128xf32, #tpu.memory_space<vmem>>, %arg3: memref<2000x256xf32, #tpu.memory_space<vmem>>, %arg4: memref<2000x256xf32, #tpu.memory_space<vmem>>, %arg5: memref<2x256xf32, #tpu.memory_space<vmem>>) attributes {dimension_semantics = [#tpu.dimension_semantics<arbitrary>], iteration_bounds = array<i64: 5>, scalar_prefetch = 0 : i64, scratch_operands = 0 : i64, tpu.core_type = #tpu.core_type<tc>, window_params = [{transform_indices = @transform_0, window_bounds = array<i64: 2, 2000, 128>}, {transform_indices = @transform_1, window_bounds = array<i64: 2, 2000, 128>}, {transform_indices = @transform_2, window_bounds = array<i64: 2000, 256>}, {transform_indices = @transform_3, window_bounds = array<i64: 2000, 256>}, {pipeline_mode = #tpu.pipeline_mode<synchronous>, transform_indices = @transform_4, window_bounds = array<i64: 2, 256>}]} {
    %get3A = arith.constant 0 : index
    %get3A_0 = arith.constant 0 : index
    %get3A_1 = arith.constant 0 : index
    %get3A_2 = vector.load %arg2[%get3A, %get3A_0, %get3A_1] : memref<2x2000x128xf32, #tpu.memory_space<vmem>>, vector<1x2000x1xf32>
    %get3A_3 = vector.shape_cast %get3A_2 : vector<1x2000x1xf32> to vector<2000x1xf32>
    %get3A_4 = arith.constant 1 : index
    %get3A_5 = arith.constant 0 : index
    %get3A_6 = arith.constant 0 : index
    %get3A_7 = vector.load %arg2[%get3A_4, %get3A_5, %get3A_6] : memref<2x2000x128xf32, #tpu.memory_space<vmem>>, vector<1x2000x1xf32>
    %get3A_8 = vector.shape_cast %get3A_7 : vector<1x2000x1xf32> to vector<2000x1xf32>
    %add3A = arith.addf %get3A_3, %get3A_8 : vector<2000x1xf32>
    %max3A = arith.constant 1.000000e+00 : f32
    %max3A_9 = vector.broadcast %max3A : f32 to vector<2000x1xf32>
    %max3A_10 = arith.maximumf %add3A, %max3A_9 : vector<2000x1xf32>
    %div3A = arith.constant 1.000000e+00 : f32
    %div3A_11 = vector.broadcast %div3A : f32 to vector<2000x1xf32>
    %div3A_12 = arith.divf %div3A_11, %max3A_10 : vector<2000x1xf32>
    %get3A_13 = arith.constant 0 : index
    %get3A_14 = arith.constant 0 : index
    %get3A_15 = arith.constant 0 : index
    %get3A_16 = vector.load %arg1[%get3A_13, %get3A_14, %get3A_15] : memref<2x2000x128xf32, #tpu.memory_space<vmem>>, vector<1x2000x128xf32>
    %get3A_17 = vector.shape_cast %get3A_16 : vector<1x2000x128xf32> to vector<2000x128xf32>
    %get3A_18 = arith.constant 1 : index
    %get3A_19 = arith.constant 0 : index
    %get3A_20 = arith.constant 0 : index
    %get3A_21 = vector.load %arg1[%get3A_18, %get3A_19, %get3A_20] : memref<2x2000x128xf32, #tpu.memory_space<vmem>>, vector<1x2000x128xf32>
    %get3A_22 = vector.shape_cast %get3A_21 : vector<1x2000x128xf32> to vector<2000x128xf32>
    %concatenate3A = tpu.concatenate %get3A_17, %get3A_22 in 1 : vector<2000x128xf32>, vector<2000x128xf32> -> vector<2000x256xf32>
    %mul3A = vector.broadcast %div3A_12 : vector<2000x1xf32> to vector<2000x256xf32>
    %mul3A_23 = arith.mulf %concatenate3A, %mul3A : vector<2000x256xf32>
    %get3A_24 = arith.constant 0 : index
    %get3A_25 = arith.constant 0 : index
    %get3A_26 = vector.load %arg3[%get3A_24, %get3A_25] : memref<2000x256xf32, #tpu.memory_space<vmem>>, vector<2000x256xf32>
    %add3A_27 = arith.addf %mul3A_23, %get3A_26 : vector<2000x256xf32>
    %swap3A = arith.constant 0 : index
    %swap3A_28 = arith.constant 0 : index
    %swap3A_29 = vector.load %arg4[%swap3A, %swap3A_28] : memref<2000x256xf32, #tpu.memory_space<vmem>>, vector<2000x256xf32>
    tpu.vector_store %arg4[%swap3A, %swap3A_28], %add3A_27 {strides = array<i32>} : memref<2000x256xf32, #tpu.memory_space<vmem>>, vector<2000x256xf32>,
    %eq3A = arith.constant 0 : i32
    %eq3A_30 = arith.cmpi eq, %arg0, %eq3A : i32
    %convert_element_type3A = arith.extui %eq3A_30 : i1 to i32
    %cond3A = arith.constant 0 : i32
    %cond3A_31 = arith.cmpi ne, %convert_element_type3A, %cond3A : i32
    scf.if %cond3A_31 {
      %broadcast_in_dim3A_51 = arith.constant 0.000000e+00 : f32
      %broadcast_in_dim3A_52 = vector.broadcast %broadcast_in_dim3A_51 : f32 to vector<2x256xf32>
      %swap3A_53 = arith.constant 0 : index
      %swap3A_54 = arith.constant 0 : index
      %swap3A_55 = vector.load %arg5[%swap3A_53, %swap3A_54] : memref<2x256xf32, #tpu.memory_space<vmem>>, vector<2x256xf32>
      tpu.vector_store %arg5[%swap3A_53, %swap3A_54], %broadcast_in_dim3A_52 {strides = array<i32>} : memref<2x256xf32, #tpu.memory_space<vmem>>, vector<2x256xf32>,
    } else {
    }
    %get3A_32 = arith.constant 0 : index
    %get3A_33 = arith.constant 0 : index
    %get3A_34 = vector.load %arg5[%get3A_32, %get3A_33] : memref<2x256xf32, #tpu.memory_space<vmem>>, vector<1x256xf32>
    %reduce_sum3A = arith.constant dense<0.000000e+00> : vector<256xf32>
    %reduce_sum3A_35 = vector.multi_reduction <add>, %add3A_27, %reduce_sum3A [0] : vector<2000x256xf32> to vector<256xf32>
    %broadcast_in_dim3A = vector.shape_cast %reduce_sum3A_35 : vector<256xf32> to vector<1x256xf32>
    %add3A_36 = arith.addf %get3A_34, %broadcast_in_dim3A : vector<1x256xf32>
    %swap3A_37 = arith.constant 0 : index
    %swap3A_38 = arith.constant 0 : index
    %swap3A_39 = vector.load %arg5[%swap3A_37, %swap3A_38] : memref<2x256xf32, #tpu.memory_space<vmem>>, vector<1x256xf32>
    tpu.vector_store %arg5[%swap3A_37, %swap3A_38], %add3A_36 {strides = array<i32>} : memref<2x256xf32, #tpu.memory_space<vmem>>, vector<1x256xf32>,
    %get3A_40 = arith.constant 1 : index
    %get3A_41 = arith.constant 0 : index
    %get3A_42 = vector.load %arg5[%get3A_40, %get3A_41] : memref<2x256xf32, #tpu.memory_space<vmem>>, vector<1x256xf32>
    %mul3A_43 = arith.mulf %add3A_27, %add3A_27 : vector<2000x256xf32>
    %reduce_sum3A_44 = arith.constant dense<0.000000e+00> : vector<256xf32>
    %reduce_sum3A_45 = vector.multi_reduction <add>, %mul3A_43, %reduce_sum3A_44 [0] : vector<2000x256xf32> to vector<256xf32>
    %broadcast_in_dim3A_46 = vector.shape_cast %reduce_sum3A_45 : vector<256xf32> to vector<1x256xf32>
    %add3A_47 = arith.addf %get3A_42, %broadcast_in_dim3A_46 : vector<1x256xf32>
    %swap3A_48 = arith.constant 1 : index
    %swap3A_49 = arith.constant 0 : index
    %swap3A_50 = vector.load %arg5[%swap3A_48, %swap3A_49] : memref<2x256xf32, #tpu.memory_space<vmem>>, vector<1x256xf32>
    tpu.vector_store %arg5[%swap3A_48, %swap3A_49], %add3A_47 {strides = array<i32>} : memref<2x256xf32, #tpu.memory_space<vmem>>, vector<1x256xf32>,
    return
  }
  func.func @transform_0(%arg0: i32) -> (i32, i32, i32) {
    %c0_i32 = arith.constant 0 : i32
    %c0_i32_0 = arith.constant 0 : i32
    %c0_i32_1 = arith.constant 0 : i32
    return %c0_i32, %arg0, %c0_i32_0 : i32, i32, i32
  }
  func.func @transform_1(%arg0: i32) -> (i32, i32, i32) {
    %c0_i32 = arith.constant 0 : i32
    %c0_i32_0 = arith.constant 0 : i32
    %c0_i32_1 = arith.constant 0 : i32
    return %c0_i32, %arg0, %c0_i32_0 : i32, i32, i32
  }
  func.func @transform_2(%arg0: i32) -> (i32, i32) {
    %c0_i32 = arith.constant 0 : i32
    %c0_i32_0 = arith.constant 0 : i32
    return %arg0, %c0_i32 : i32, i32
  }
  func.func @transform_3(%arg0: i32) -> (i32, i32) {
    %c0_i32 = arith.constant 0 : i32
    %c0_i32_0 = arith.constant 0 : i32
    return %arg0, %c0_i32 : i32, i32
  }
  func.func @transform_4(%arg0: i32) -> (i32, i32) {
    %c0_i32 = arith.constant 0 : i32
    %c0_i32_0 = arith.constant 0 : i32
    %c0_i32_1 = arith.constant 0 : i32
    return %c0_i32, %c0_i32_0 : i32, i32
  }
}

module attributes {stable_mosaic.version = 14 : i64} {
  func.func @_bn_lin2_kernel(%arg0: i32, %arg1: memref<2000x256xf32, #tpu.memory_space<vmem>>, %arg2: memref<2x256xf32, #tpu.memory_space<vmem>>, %arg3: memref<1x256xf32, #tpu.memory_space<vmem>>, %arg4: memref<1x256xf32, #tpu.memory_space<vmem>>, %arg5: memref<256x256xf32, #tpu.memory_space<vmem>>, %arg6: memref<1x256xf32, #tpu.memory_space<vmem>>, %arg7: memref<256x256xf32, #tpu.memory_space<vmem>>, %arg8: memref<2x2000x128xf32, #tpu.memory_space<vmem>>, %arg9: memref<2000x256xf32, #tpu.memory_space<vmem>>) attributes {dimension_semantics = [#tpu.dimension_semantics<arbitrary>], iteration_bounds = array<i64: 5>, scalar_prefetch = 0 : i64, scratch_operands = 0 : i64, tpu.core_type = #tpu.core_type<tc>, window_params = [{transform_indices = @transform_0, window_bounds = array<i64: 2000, 256>}, {pipeline_mode = #tpu.pipeline_mode<synchronous>, transform_indices = @transform_1, window_bounds = array<i64: 2, 256>}, {pipeline_mode = #tpu.pipeline_mode<synchronous>, transform_indices = @transform_2, window_bounds = array<i64: 1, 256>}, {pipeline_mode = #tpu.pipeline_mode<synchronous>, transform_indices = @transform_3, window_bounds = array<i64: 1, 256>}, {pipeline_mode = #tpu.pipeline_mode<synchronous>, transform_indices = @transform_4, window_bounds = array<i64: 256, 256>}, {pipeline_mode = #tpu.pipeline_mode<synchronous>, transform_indices = @transform_5, window_bounds = array<i64: 1, 256>}, {pipeline_mode = #tpu.pipeline_mode<synchronous>, transform_indices = @transform_6, window_bounds = array<i64: 256, 256>}, {transform_indices = @transform_7, window_bounds = array<i64: 2, 2000, 128>}, {transform_indices = @transform_8, window_bounds = array<i64: 2000, 256>}]} {
    %get3A = arith.constant 0 : index
    %get3A_0 = arith.constant 0 : index
    %get3A_1 = vector.load %arg2[%get3A, %get3A_0] : memref<2x256xf32, #tpu.memory_space<vmem>>, vector<1x256xf32>
    %div3A = arith.constant 1.000000e+04 : f32
    %div3A_2 = vector.broadcast %div3A : f32 to vector<1x256xf32>
    %div3A_3 = arith.divf %get3A_1, %div3A_2 : vector<1x256xf32>
    %get3A_4 = arith.constant 1 : index
    %get3A_5 = arith.constant 0 : index
    %get3A_6 = vector.load %arg2[%get3A_4, %get3A_5] : memref<2x256xf32, #tpu.memory_space<vmem>>, vector<1x256xf32>
    %div3A_7 = arith.constant 1.000000e+04 : f32
    %div3A_8 = vector.broadcast %div3A_7 : f32 to vector<1x256xf32>
    %div3A_9 = arith.divf %get3A_6, %div3A_8 : vector<1x256xf32>
    %mul3A = arith.mulf %div3A_3, %div3A_3 : vector<1x256xf32>
    %sub3A = arith.subf %div3A_9, %mul3A : vector<1x256xf32>
    %get3A_10 = arith.constant 0 : index
    %get3A_11 = arith.constant 0 : index
    %get3A_12 = vector.load %arg1[%get3A_10, %get3A_11] : memref<2000x256xf32, #tpu.memory_space<vmem>>, vector<2000x256xf32>
    %sub3A_13 = vector.broadcast %div3A_3 : vector<1x256xf32> to vector<2000x256xf32>
    %sub3A_14 = arith.subf %get3A_12, %sub3A_13 : vector<2000x256xf32>
    %add3A = arith.constant 9.99999974E-6 : f32
    %add3A_15 = vector.broadcast %add3A : f32 to vector<1x256xf32>
    %add3A_16 = arith.addf %sub3A, %add3A_15 : vector<1x256xf32>
    %rsqrt3A = math.rsqrt %add3A_16 : vector<1x256xf32>
    %mul3A_17 = vector.broadcast %rsqrt3A : vector<1x256xf32> to vector<2000x256xf32>
    %mul3A_18 = arith.mulf %sub3A_14, %mul3A_17 : vector<2000x256xf32>
    %get3A_19 = arith.constant 0 : index
    %get3A_20 = arith.constant 0 : index
    %get3A_21 = vector.load %arg3[%get3A_19, %get3A_20] : memref<1x256xf32, #tpu.memory_space<vmem>>, vector<1x256xf32>
    %mul3A_22 = vector.broadcast %get3A_21 : vector<1x256xf32> to vector<2000x256xf32>
    %mul3A_23 = arith.mulf %mul3A_18, %mul3A_22 : vector<2000x256xf32>
    %get3A_24 = arith.constant 0 : index
    %get3A_25 = arith.constant 0 : index
    %get3A_26 = vector.load %arg4[%get3A_24, %get3A_25] : memref<1x256xf32, #tpu.memory_space<vmem>>, vector<1x256xf32>
    %add3A_27 = vector.broadcast %get3A_26 : vector<1x256xf32> to vector<2000x256xf32>
    %add3A_28 = arith.addf %mul3A_23, %add3A_27 : vector<2000x256xf32>
    %max3A = arith.constant 0.000000e+00 : f32
    %max3A_29 = vector.broadcast %max3A : f32 to vector<2000x256xf32>
    %max3A_30 = arith.maximumf %add3A_28, %max3A_29 : vector<2000x256xf32>
    %get3A_31 = arith.constant 0 : index
    %get3A_32 = arith.constant 0 : index
    %get3A_33 = vector.load %arg5[%get3A_31, %get3A_32] : memref<256x256xf32, #tpu.memory_space<vmem>>, vector<256x256xf32>
    %dot_general3A = arith.constant dense<0.000000e+00> : vector<2000x256xf32>
    %dot_general3A_34 = tpu.matmul %max3A_30, %get3A_33, %dot_general3A {dimension_numbers = #tpu.dot_dimension_numbers<[1], [1], [0], [0], [0, 0, 1, 0], [], []>, transpose_lhs_hint = false} : vector<2000x256xf32>, vector<256x256xf32>, vector<2000x256xf32> -> vector<2000x256xf32>
    %get3A_35 = arith.constant 0 : index
    %get3A_36 = arith.constant 0 : index
    %get3A_37 = vector.load %arg6[%get3A_35, %get3A_36] : memref<1x256xf32, #tpu.memory_space<vmem>>, vector<1x256xf32>
    %add3A_38 = vector.broadcast %get3A_37 : vector<1x256xf32> to vector<2000x256xf32>
    %add3A_39 = arith.addf %dot_general3A_34, %add3A_38 : vector<2000x256xf32>
    %slice3A = vector.extract_strided_slice %add3A_39 {offsets = [0, 0], sizes = [2000, 128], strides = [1, 1]} : vector<2000x256xf32> to vector<2000x128xf32>
    %swap3A = arith.constant 0 : index
    %swap3A_40 = arith.constant 0 : index
    %swap3A_41 = arith.constant 0 : index
    %swap3A_42 = vector.load %arg8[%swap3A, %swap3A_40, %swap3A_41] : memref<2x2000x128xf32, #tpu.memory_space<vmem>>, vector<1x2000x128xf32>
    %swap3A_43 = vector.shape_cast %swap3A_42 : vector<1x2000x128xf32> to vector<2000x128xf32>
    %swap3A_44 = vector.shape_cast %slice3A : vector<2000x128xf32> to vector<1x2000x128xf32>
    tpu.vector_store %arg8[%swap3A, %swap3A_40, %swap3A_41], %swap3A_44 {strides = array<i32>} : memref<2x2000x128xf32, #tpu.memory_space<vmem>>, vector<1x2000x128xf32>,
    %slice3A_45 = vector.extract_strided_slice %add3A_39 {offsets = [0, 128], sizes = [2000, 128], strides = [1, 1]} : vector<2000x256xf32> to vector<2000x128xf32>
    %swap3A_46 = arith.constant 1 : index
    %swap3A_47 = arith.constant 0 : index
    %swap3A_48 = arith.constant 0 : index
    %swap3A_49 = vector.load %arg8[%swap3A_46, %swap3A_47, %swap3A_48] : memref<2x2000x128xf32, #tpu.memory_space<vmem>>, vector<1x2000x128xf32>
    %swap3A_50 = vector.shape_cast %swap3A_49 : vector<1x2000x128xf32> to vector<2000x128xf32>
    %swap3A_51 = vector.shape_cast %slice3A_45 : vector<2000x128xf32> to vector<1x2000x128xf32>
    tpu.vector_store %arg8[%swap3A_46, %swap3A_47, %swap3A_48], %swap3A_51 {strides = array<i32>} : memref<2x2000x128xf32, #tpu.memory_space<vmem>>, vector<1x2000x128xf32>,
    %get3A_52 = arith.constant 0 : index
    %get3A_53 = arith.constant 0 : index
    %get3A_54 = vector.load %arg7[%get3A_52, %get3A_53] : memref<256x256xf32, #tpu.memory_space<vmem>>, vector<256x256xf32>
    %dot_general3A_55 = arith.constant dense<0.000000e+00> : vector<2000x256xf32>
    %dot_general3A_56 = tpu.matmul %max3A_30, %get3A_54, %dot_general3A_55 {dimension_numbers = #tpu.dot_dimension_numbers<[1], [1], [0], [0], [0, 0, 1, 0], [], []>, transpose_lhs_hint = false} : vector<2000x256xf32>, vector<256x256xf32>, vector<2000x256xf32> -> vector<2000x256xf32>
    %swap3A_57 = arith.constant 0 : index
    %swap3A_58 = arith.constant 0 : index
    %swap3A_59 = vector.load %arg9[%swap3A_57, %swap3A_58] : memref<2000x256xf32, #tpu.memory_space<vmem>>, vector<2000x256xf32>
    tpu.vector_store %arg9[%swap3A_57, %swap3A_58], %dot_general3A_56 {strides = array<i32>} : memref<2000x256xf32, #tpu.memory_space<vmem>>, vector<2000x256xf32>,
    return
  }
  func.func @transform_0(%arg0: i32) -> (i32, i32) {
    %c0_i32 = arith.constant 0 : i32
    %c0_i32_0 = arith.constant 0 : i32
    return %arg0, %c0_i32 : i32, i32
  }
  func.func @transform_1(%arg0: i32) -> (i32, i32) {
    %c0_i32 = arith.constant 0 : i32
    %c0_i32_0 = arith.constant 0 : i32
    %c0_i32_1 = arith.constant 0 : i32
    return %c0_i32, %c0_i32_0 : i32, i32
  }
  func.func @transform_2(%arg0: i32) -> (i32, i32) {
    %c0_i32 = arith.constant 0 : i32
    %c0_i32_0 = arith.constant 0 : i32
    %c0_i32_1 = arith.constant 0 : i32
    return %c0_i32, %c0_i32_0 : i32, i32
  }
  func.func @transform_3(%arg0: i32) -> (i32, i32) {
    %c0_i32 = arith.constant 0 : i32
    %c0_i32_0 = arith.constant 0 : i32
    %c0_i32_1 = arith.constant 0 : i32
    return %c0_i32, %c0_i32_0 : i32, i32
  }
  func.func @transform_4(%arg0: i32) -> (i32, i32) {
    %c0_i32 = arith.constant 0 : i32
    %c0_i32_0 = arith.constant 0 : i32
    %c0_i32_1 = arith.constant 0 : i32
    return %c0_i32, %c0_i32_0 : i32, i32
  }
  func.func @transform_5(%arg0: i32) -> (i32, i32) {
    %c0_i32 = arith.constant 0 : i32
    %c0_i32_0 = arith.constant 0 : i32
    %c0_i32_1 = arith.constant 0 : i32
    return %c0_i32, %c0_i32_0 : i32, i32
  }
  func.func @transform_6(%arg0: i32) -> (i32, i32) {
    %c0_i32 = arith.constant 0 : i32
    %c0_i32_0 = arith.constant 0 : i32
    %c0_i32_1 = arith.constant 0 : i32
    return %c0_i32, %c0_i32_0 : i32, i32
  }
  func.func @transform_7(%arg0: i32) -> (i32, i32, i32) {
    %c0_i32 = arith.constant 0 : i32
    %c0_i32_0 = arith.constant 0 : i32
    %c0_i32_1 = arith.constant 0 : i32
    return %c0_i32, %arg0, %c0_i32_0 : i32, i32, i32
  }
  func.func @transform_8(%arg0: i32) -> (i32, i32) {
    %c0_i32 = arith.constant 0 : i32
    %c0_i32_0 = arith.constant 0 : i32
    return %arg0, %c0_i32 : i32, i32
  }
}

module attributes {stable_mosaic.version = 14 : i64} {
  func.func @_out_kernel(%arg0: i32, %arg1: memref<2x2000x128xf32, #tpu.memory_space<vmem>>, %arg2: memref<2x2000x128xf32, #tpu.memory_space<vmem>>, %arg3: memref<2000x256xf32, #tpu.memory_space<vmem>>, %arg4: memref<2000x256xf32, #tpu.memory_space<vmem>>) attributes {dimension_semantics = [#tpu.dimension_semantics<arbitrary>], iteration_bounds = array<i64: 5>, scalar_prefetch = 0 : i64, scratch_operands = 0 : i64, tpu.core_type = #tpu.core_type<tc>, window_params = [{transform_indices = @transform_0, window_bounds = array<i64: 2, 2000, 128>}, {transform_indices = @transform_1, window_bounds = array<i64: 2, 2000, 128>}, {transform_indices = @transform_2, window_bounds = array<i64: 2000, 256>}, {transform_indices = @transform_3, window_bounds = array<i64: 2000, 256>}]} {
    %get3A = arith.constant 0 : index
    %get3A_0 = arith.constant 0 : index
    %get3A_1 = arith.constant 0 : index
    %get3A_2 = vector.load %arg2[%get3A, %get3A_0, %get3A_1] : memref<2x2000x128xf32, #tpu.memory_space<vmem>>, vector<1x2000x1xf32>
    %get3A_3 = vector.shape_cast %get3A_2 : vector<1x2000x1xf32> to vector<2000x1xf32>
    %get3A_4 = arith.constant 1 : index
    %get3A_5 = arith.constant 0 : index
    %get3A_6 = arith.constant 0 : index
    %get3A_7 = vector.load %arg2[%get3A_4, %get3A_5, %get3A_6] : memref<2x2000x128xf32, #tpu.memory_space<vmem>>, vector<1x2000x1xf32>
    %get3A_8 = vector.shape_cast %get3A_7 : vector<1x2000x1xf32> to vector<2000x1xf32>
    %add3A = arith.addf %get3A_3, %get3A_8 : vector<2000x1xf32>
    %max3A = arith.constant 1.000000e+00 : f32
    %max3A_9 = vector.broadcast %max3A : f32 to vector<2000x1xf32>
    %max3A_10 = arith.maximumf %add3A, %max3A_9 : vector<2000x1xf32>
    %div3A = arith.constant 1.000000e+00 : f32
    %div3A_11 = vector.broadcast %div3A : f32 to vector<2000x1xf32>
    %div3A_12 = arith.divf %div3A_11, %max3A_10 : vector<2000x1xf32>
    %get3A_13 = arith.constant 0 : index
    %get3A_14 = arith.constant 0 : index
    %get3A_15 = arith.constant 0 : index
    %get3A_16 = vector.load %arg1[%get3A_13, %get3A_14, %get3A_15] : memref<2x2000x128xf32, #tpu.memory_space<vmem>>, vector<1x2000x128xf32>
    %get3A_17 = vector.shape_cast %get3A_16 : vector<1x2000x128xf32> to vector<2000x128xf32>
    %get3A_18 = arith.constant 1 : index
    %get3A_19 = arith.constant 0 : index
    %get3A_20 = arith.constant 0 : index
    %get3A_21 = vector.load %arg1[%get3A_18, %get3A_19, %get3A_20] : memref<2x2000x128xf32, #tpu.memory_space<vmem>>, vector<1x2000x128xf32>
    %get3A_22 = vector.shape_cast %get3A_21 : vector<1x2000x128xf32> to vector<2000x128xf32>
    %concatenate3A = tpu.concatenate %get3A_17, %get3A_22 in 1 : vector<2000x128xf32>, vector<2000x128xf32> -> vector<2000x256xf32>
    %mul3A = vector.broadcast %div3A_12 : vector<2000x1xf32> to vector<2000x256xf32>
    %mul3A_23 = arith.mulf %concatenate3A, %mul3A : vector<2000x256xf32>
    %get3A_24 = arith.constant 0 : index
    %get3A_25 = arith.constant 0 : index
    %get3A_26 = vector.load %arg3[%get3A_24, %get3A_25] : memref<2000x256xf32, #tpu.memory_space<vmem>>, vector<2000x256xf32>
    %add3A_27 = arith.addf %mul3A_23, %get3A_26 : vector<2000x256xf32>
    %swap3A = arith.constant 0 : index
    %swap3A_28 = arith.constant 0 : index
    %swap3A_29 = vector.load %arg4[%swap3A, %swap3A_28] : memref<2000x256xf32, #tpu.memory_space<vmem>>, vector<2000x256xf32>
    tpu.vector_store %arg4[%swap3A, %swap3A_28], %add3A_27 {strides = array<i32>} : memref<2000x256xf32, #tpu.memory_space<vmem>>, vector<2000x256xf32>,
    return
  }
  func.func @transform_0(%arg0: i32) -> (i32, i32, i32) {
    %c0_i32 = arith.constant 0 : i32
    %c0_i32_0 = arith.constant 0 : i32
    %c0_i32_1 = arith.constant 0 : i32
    return %c0_i32, %arg0, %c0_i32_0 : i32, i32, i32
  }
  func.func @transform_1(%arg0: i32) -> (i32, i32, i32) {
    %c0_i32 = arith.constant 0 : i32
    %c0_i32_0 = arith.constant 0 : i32
    %c0_i32_1 = arith.constant 0 : i32
    return %c0_i32, %arg0, %c0_i32_0 : i32, i32, i32
  }
  func.func @transform_2(%arg0: i32) -> (i32, i32) {
    %c0_i32 = arith.constant 0 : i32
    %c0_i32_0 = arith.constant 0 : i32
    return %arg0, %c0_i32 : i32, i32
  }
  func.func @transform_3(%arg0: i32) -> (i32, i32) {
    %c0_i32 = arith.constant 0 : i32
    %c0_i32_0 = arith.constant 0 : i32
    return %arg0, %c0_i32 : i32, i32
  }
}

</mosaic_0001>

<sc_bundles>
// kernel: kernel.12.cloned.1.call-start
scs
__scs_entry_jumppad:
0x0: {  	(pc) =	sbr.rel $0x88, $3  }
0x1: {  	(tag) =	ssettag $0x0;
	lr =	simm.s32 $0x1  }
0x2: {  	[smem:$0x3F97] =	sst lr;
	_ =	strace $0xD0000000  }
0x3: {  	_ = 	snop  }
0x4: {  	_ = 	snop  }
0x5: {  	_ = 	snop  }
0x6: {  	_ = 	snop  }
0x7: {  	_ = 	snop  }
__scs_overlays_trampoline_lowered:
0x8: {  	[smem:$0x3FA6] =	sst s0  }
0x9: {  	[smem:$0x3FA7] =	sst s1  }
0xa: {  	[smem:$0x3FA8] =	sst s2  }
0xb: {  	[smem:$0x3FA9] =	sst s3  }
0xc: {  	[smem:$0x3FAA] =	sst s4  }
0xd: {  	[smem:$0x3FAB] =	sst s5  }
0xe: {  	[smem:$0x3FAC] =	sst s6  }
0xf: {  	[smem:$0x3FAD] =	sst s7  }
0x10: {  	[smem:$0x3FAE] =	sst s8  }
0x11: {  	[smem:$0x3FAF] =	sst s9;
	s0 =	simm.s32 @!p0 $0x0  }
0x12: {  	s1 =	sld [smem:$0x3F95];
	s0 =	simm.s32 @p0 $0x1  }
0x13: {  	[smem:$0x3FB0] =	sst s0;
	s0 =	simm.s32 @!p1 $0x0  }
0x14: {  	s2 =	sld [smem:$0x3F94];
	s0 =	simm.s32 @p1 $0x1  }
0x15: {  	[smem:$0x3FB1] =	sst s0;
	s0 =	simm.s32 @!p2 $0x0  }
0x16: {  	s3 =	sld [smem:$0x3FDB];
	s0 =	simm.s32 @p2 $0x1  }
0x17: {  	s4 =	simm.s32 $0x1BF5;
	[smem:$0x3FB3] =	sst s0  }
0x18: {  	s0 =	sld [smem:$0x3F96];
	_ =	swait.ge [sflag:s4], $0x0  }
0x19: {  	s7 =	sld [smem:$0x3F97]  }
0x1a: {  	s8 =	sadd.s32 $0xFFFFE003, lr  }
0x1b: {  	s9 =	sadd.s32 $0xFFFFFEF7, lr;
	s5 =	simm.s32 $0xFFFFFFFF;
	p2 =	slt.u32 s8, $0xFFFFF086  }
0x1c: {  	p1 =	slt.u32 s9, $0xF7A;
	s5 =	simm.s32 @!p2 $0x0  }
0x1d: {  	s5 =	simm.s32 @p1 $0x1;
	p0 =	seq.s32 s7, s2  }
0x1e: {  	s7 =	smul.u32 @!p0 $0xF7A, s2;
	p2 =	seq.s32 @!p0 s5, $0x0  }
0x1f: {  	s9 =	smul.u32 $0xF7A, s1;
	s8 =	simm.s32 @!p0 $0x1BF5;
	p2 =	por !p2, p0  }
0x20: {  	[sflag:s8] =	ssyncset.s32 @!p0 $0xFFFFF086;
	s6 =	sadd.s32 @!p0 s3, s7;
	s7 =	simm.s32 @!p0 $0x108  }
0x21: {  	s3 =	sadd.s32 s3, s9;
	s6 =	sadd.s32 @!p0 $0x88, s6;
	s7 =	simm.s32 @p2 $0x1082  }
0x22: {  	[simem:s7], [sflag:s8] =	dma.local @!p0 [hbm:s6], $0xF7A  }
0x23: {  	s9 =	sor.u32 $0xD0000000, s2;
	s6 =	simm.s32 $0x108;
	_ =	swait.ge @!p0 [sflag:s8], $0x0  }
0x24: {  	s3 =	sadd.s32 $0x88, s3;
	s6 =	simm.s32 @!p1 $0x1082;
	[sflag:s4] =	ssyncset.s32 $0xFFFFF086  }
0x25: {  	[simem:s6], [sflag:s4] =	dma.local [hbm:s3], $0xF7A  }
0x26: {  	[smem:$0x3F97] =	sst s1;
	(tag) =	ssettag s2;
	_ =	strace s9  }
0x27: {  	s1 =	sld [smem:$0x3FA7]  }
0x28: {  	s2 =	sld [smem:$0x3FA8]  }
0x29: {  	s4 =	sld [smem:$0x3FAA]  }
0x2a: {  	p0 =	seq.s32 s5, $0x0;
	s5 =	sld [smem:$0x3FAB]  }
0x2b: {  	s6 =	sld [smem:$0x3FAC]  }
0x2c: {  	s7 =	sld [smem:$0x3FAD]  }
0x2d: {  	s3 =	simm.s32 $0x108;
	s8 =	sld [smem:$0x3FAE]  }
0x2e: {  	s3 =	simm.s32 @!p0 $0x1082;
	s9 =	sld [smem:$0x3FAF]  }
0x2f: {  	lr =	sadd.s32 s0, s3;
	s0 =	sld [smem:$0x3FA6]  }
0x30: {  	s3 =	sld [smem:$0x3FA9]  }
0x31: {  	[smem:$0x3FB2] =	sst s10  }
0x32: {  	s10 =	sld [smem:$0x3FB0];
	_ =	sdelay $0x3  }
0x33: {  	p0 =	seq.s32 s10, $0x1;
	s10 =	sld [smem:$0x3FB2];
	_ =	sdelay $0x3  }
0x34: {  	[smem:$0x3FB2] =	sst s10  }
0x35: {  	s10 =	sld [smem:$0x3FB1];
	_ =	sdelay $0x3  }
0x36: {  	p1 =	seq.s32 s10, $0x1;
	s10 =	sld [smem:$0x3FB2];
	_ =	sdelay $0x3  }
0x37: {  	[smem:$0x3FB2] =	sst s10  }
0x38: {  	s10 =	sld [smem:$0x3FB3]  }
0x39: {  	_ = 	snop;
	(pc) =	sbr.ind lr, $3  }
0x3a: {  	_ = 	snop  }
0x3b: {  	_ = 	snop  }
0x3c: {  	p2 =	seq.s32 s10, $0x1;
	s10 =	sld [smem:$0x3FB2]  }
0x3d: {  	_ =	shalt  }
0x3e: {  	_ =	shalt  }
0x3f: {  	_ =	shalt  }
0x40: {  	_ =	shalt  }
0x41: {  	_ =	shalt  }
0x42: {  	_ =	shalt  }
0x43: {  	_ =	shalt  }
0x44: {  	_ =	shalt  }
0x45: {  	_ =	shalt  }
0x46: {  	_ =	shalt  }
0x47: {  	_ =	shalt  }
0x48: {  	_ =	shalt  }
0x49: {  	_ =	shalt  }
0x4a: {  	_ =	shalt  }
0x4b: {  	_ =	shalt  }
0x4c: {  	_ =	shalt  }
0x4d: {  	_ =	shalt  }
0x4e: {  	_ =	shalt  }
0x4f: {  	_ =	shalt  }
0x50: {  	_ =	shalt  }
0x51: {  	_ =	shalt  }
0x52: {  	_ =	shalt  }
0x53: {  	_ =	shalt  }
0x54: {  	_ =	shalt  }
0x55: {  	_ =	shalt  }
0x56: {  	_ =	shalt  }
0x57: {  	_ =	shalt  }
0x58: {  	_ =	shalt  }
0x59: {  	_ =	shalt  }
0x5a: {  	_ =	shalt  }
0x5b: {  	_ =	shalt  }
0x5c: {  	_ =	shalt  }
0x5d: {  	_ =	shalt  }
0x5e: {  	_ =	shalt  }
0x5f: {  	_ =	shalt  }
0x60: {  	_ =	shalt  }
0x61: {  	_ =	shalt  }
0x62: {  	_ =	shalt  }
0x63: {  	_ =	shalt  }
0x64: {  	_ =	shalt  }
0x65: {  	_ =	shalt  }
0x66: {  	_ =	shalt  }
0x67: {  	_ =	shalt  }
0x68: {  	_ =	shalt  }
0x69: {  	_ =	shalt  }
0x6a: {  	_ =	shalt  }
0x6b: {  	_ =	shalt  }
0x6c: {  	_ =	shalt  }
0x6d: {  	_ =	shalt  }
0x6e: {  	_ =	shalt  }
0x6f: {  	_ =	shalt  }
0x70: {  	_ =	shalt  }
0x71: {  	_ =	shalt  }
0x72: {  	_ =	shalt  }
0x73: {  	_ =	shalt  }
0x74: {  	_ =	shalt  }
0x75: {  	_ =	shalt  }
0x76: {  	_ =	shalt  }
0x77: {  	_ =	shalt  }
0x78: {  	_ =	shalt  }
0x79: {  	_ =	shalt  }
0x7a: {  	_ =	shalt  }
0x7b: {  	_ =	shalt  }
0x7c: {  	_ =	shalt  }
0x7d: {  	_ =	shalt  }
0x7e: {  	_ =	shalt  }
0x7f: {  	_ =	shalt  }
0x80: {  	_ =	shalt  }
0x81: {  	_ =	shalt  }
0x82: {  	_ =	shalt  }
0x83: {  	_ =	shalt  }
0x84: {  	_ =	shalt  }
0x85: {  	_ =	shalt  }
0x86: {  	_ =	shalt  }
0x87: {  	_ =	shalt  }
.Lfunc_end0:
.L_simem_size_0:
called_computation.1_lowered:
.L_overlay_start_0:
0x88: {  	s2 =	sld [smem:$0x3FD9]  }
0x89: {  	s3 =	sld [smem:$0x3FFE];
	_ =	sdelay $0x1  }
0x8a: {  	s1 =	srdreg.scid  }
0x8b: {  	s0 =	sand.u32 $0x1, s1  }
0x8c: {  	s17 =	sshll.u32 s0, $0xA;
	s2 =	sadd.s32 s3, s2  }
0x8d: {  	s2 =	sadd.s32 s2, s17  }
0x8e: {  	[smem:$0x3FBE] =	sst s2  }
0x8f: {  	_ = 	snop  }
0x90: {  	s18 =	sld [smem:$0x3FD0];
	(tm) =	ssettm $0x1  }
0x91: {  	s19 =	sld [smem:$0x3FFB];
	_ =	sdelay $0x3  }
0x92: {  	_ =	strace s19  }
0x93: {  	s2 =	sld [smem:$0x3FFC];
	_ =	sdelay $0x3  }
0x94: {  	_ =	strace s2  }
0x95: {  	s2 =	sld [smem:$0x3FFD];
	_ =	sdelay $0x3  }
0x96: {  	_ =	strace s2  }
0x97: {  	_ =	strace $0x8FFFFFFF  }
0x98: {  	s20 =	sld [smem:$0x3FDB];
	_ =	sdelay $0x1  }
0x99: {  	s4 =	simm.s32 $_scs_section_size  }
0x9a: {  	s5 =	simm.s32 $_size__tile_overlayer_lowered;
	s6 =	simm.s32 $_tile_overlayer_lowered  }
0x9b: {  	s7 =	simm.s32 $0x1BFF;
	s21 =	sshll.u32 s6, $0x1;
	s4 =	sadd.s32 s4, s20  }
0x9c: {  	s22 =	simm.s32 $0x0;
	s5 =	sshll.u32 s5, $0x1;
	s6 =	sadd.s32 s21, s4  }
0x9d: {  	[timem:s22], [sflag:s7] =	dma.local [hbm:s6], s5  }
0x9e: {  	_ =	swait.ge [sflag:s7], s5  }
0x9f: {  	s5 =	ssub.s32 $0x0, s5;
	[sflag:s7] =	ssyncset.done $0x0  }
0xa0: {  	[sflag:s7] =	ssyncadd.s32 s5;
	_ =	sdelay $0x1  }
0xa1: {  	s23 =	simm.s32 $0x1B8B  }
0xa2: {  	_ =	swait.ge [sflag:s23], $0x1  }
0xa3: {  	[sflag:s23] =	ssyncset.done $0x0  }
0xa4: {  	[sflag:s23] =	ssyncadd.s32 $0xFFFFFFFF  }
0xa5: {  	s5 =	sld [smem:$0x0]  }
0xa6: {  	s6 =	sand.u32 $0xFFFFFFFE, s1  }
0xa7: {  	p0 =	sne.s32 s1, s6  }
0xa8: {  	s6 =	sshll.u32 @p0 s6, $0xE  }
0xa9: {  	s6 =	sadd.s32 @p0 $0x11B8D, s6;
	s7 =	sshll.u32 @p0 s5, $0x11  }
0xaa: {  	s6 =	sor.u32 @p0 s7, s6  }
0xab: {  	[sflag:s6] =	ssyncadd.remote.s32 @p0 $0x1;
	_ =	sdelay $0x1  }
0xac: {  	s6 =	simm.s32 @p0 $0x1B8D  }
0xad: {  	_ =	swait.eq @p0 [sflag:s6], $0x1  }
0xae: {  	[sflag:s6] =	ssyncadd.s32 @p0 $0xFFFFFFFF  }
0xaf: {  	s7 =	sshll.u32 @!p0 s1, $0xE  }
0xb0: {  	s7 =	sor.u32 @!p0 $0x4000, s7;
	s6 =	simm.s32 @!p0 $0x1B8D  }
0xb1: {  	s5 =	sshll.u32 @!p0 s5, $0x11;
	s7 =	sadd.s32 @!p0 $0x11B8D, s7;
	_ =	swait.eq @!p0 [sflag:s6], $0x1  }
0xb2: {  	s5 =	sor.u32 @!p0 s5, s7;
	[sflag:s6] =	ssyncadd.s32 @!p0 $0xFFFFFFFF  }
0xb3: {  	s25 =	simm.s32 $0x1B8E;
	s24 =	sld [smem:$0x3FFE];
	[sflag:s5] =	ssyncadd.remote.s32 @!p0 $0x1  }
0xb4: {  	s26 =	simm.s32 $execute0_lowered;
	[smem:$0x3FD2] =	sst s25  }
0xb5: {  	s6 =	sshll.u32 s26, $0x1;
	_ =	strace $0x80000049;
	[dreg:$0x1] =	wrdreg $0xFFFFFFFF  }
0xb6: {  	s28 =	simm.s32 $_size_execute0_lowered;
	s4 =	sadd.s32 s4, s6;
	[dreg:$0x0] =	wrdreg $0x0  }
0xb7: {  	s6 =	sshll.u32 s28, $0x1;
	[dreg:$0x2] =	wrdreg s4  }
0xb8: {  	[dreg:$0x3] =	wrdreg s6  }
0xb9: {  	[dreg:$0x4] =	wrdreg $0xC0  }
0xba: {  	_ =	task [dreg:s22], $0x5FFFF  }
0xbb: {  	[dreg:$0x1] =	wrdreg $0xFFFFFFFF  }
0xbc: {  	[dreg:$0x0] =	wrdreg $0x60  }
0xbd: {  	[dreg:$0x2] =	wrdreg s18  }
0xbe: {  	[dreg:$0x3] =	wrdreg s24  }
0xbf: {  	[dreg:$0x4] =	wrdreg $0x0  }
0xc0: {  	[dreg:$0x5] =	wrdreg $0xA  }
0xc1: {  	_ =	task.clear_ibuf [dreg:s22], $0x6FFFF;
	_ =	strace $0x90000049  }
0xc2: {  	s29 =	simm.s32 $0xA;
	_ =	strace $0x8000004B  }
0xc3: {  	_ =	swait.ge [sflag:s29], $0x1  }
0xc4: {  	[sflag:s29] =	ssyncadd.s32 $0xFFFFFFFF  }
0xc5: {  	_ =	strace $0x9000004B  }
0xc6: {  	_ =	sfence  }
0xc7: {  	s30 =	sld [smem:$0x0];
	_ =	sdelay $0x2  }
0xc8: {  	s31 =	sshll.u32 s1, $0xD;
	s1 =	sshrl.u32 s1, $0x2  }
0xc9: {  	s4 =	sand.u32 $0x4000, s31;
	s1 =	sadd.s32 s1, s30  }
0xca: {  	s0 =	sor.u32 s4, s0;
	s1 =	sshll.u32 s1, $0x11  }
0xcb: {  	s0 =	sor.u32 s1, s0  }
0xcc: {  	s0 =	sadd.s32 $0x8F2B, s0  }
0xcd: {  	[sflag:s0] =	ssyncadd.remote.s32 $0x1  }
0xce: {  	_ =	sfence.sel $0xFFFF  }
0xcf: {  	[dreg:$0x0] =	wrdreg $0xFFFFFFFF;
	(pc) =	sbr.abs _section_cstart, $3  }
0xd0: {  	[dreg:$0x1] =	wrdreg $0xFFFFFFFF  }
0xd1: {  	_ =	task.clear_ibuf [dreg:s22], $0x2FFFF;
	_ =	strace $0x9FFFFFFF  }
0xd2: {  	(tm) =	ssettm $0x7FFFFFFF  }
0xd3: {  	_ =	shalt  }
tec
execute0_lowered:
.L_overlay_start_1:
0x0: {  	(tag) =	ssettag $0x1  }
0x1: {  	s1 =	rddreg [dreg:$0x0]  }
0x2: {  	s0 =	srdreg.scid;
	s2 =	rddreg [dreg:$0x1]  }
0x3: {  	s17 =	stileid.u32;
	s3 =	rddreg [dreg:$0x2]  }
0x4: {  	s4 =	simm.s32 $0x0;
	s28 =	simm.s32 $0x1A900;
	s29 =	simm.s32 $0x3  }
0x5: {  	s30 =	simm.s32 $0x1;
	s31 =	simm.s32 $0x4;
	s5 =	smul.u32 $0x2800, s17  }
0x6: {  	s0 =	sand.u32 $0x1, s0;
	[smem:$0x7FF] =	sst s4;
	s12 =	smul.u32 $0x280, s17  }
0x7: {  	s19 =	sadd.s32 $0x2200, s2;
	s22 =	sadd.s32 $0x7200, s2;
	s7 =	smul.u32 $0x50000, s17  }
0x8: {  	s6 =	smul.u32 $0x28000, s0;
	_ =	strace $0x8000004A;
	s23 =	ssub.s32 $0x2, s0  }
0x9: {  	[dreg:$0x4] =	wrdreg s22;
	s0 =	smul.u32 $0x2800, s0;
	s8 =	sshrl.u32 s23, $0x1  }
0xa: {  	s13 =	sadd.s32 $0x80, s12;
	s24 =	sshrl.u32 s7, $0x2;
	s14 =	sadd.s32 $0x100, s12  }
0xb: {  	s15 =	sadd.s32 $0x180, s12;
	s16 =	sadd.s32 $0x200, s12;
	s6 =	sadd.s32 s5, s6  }
0xc: {  	s18 =	ssub.s32 s23, s8;
	s25 =	sshll.u32 s13, $0x7;
	s26 =	sshll.u32 s14, $0x7  }
0xd: {  	s9 =	sshll.u32 s15, $0x7;
	s10 =	sshll.u32 s16, $0x7;
	s5 =	sshrl.u32 s5, $0x3  }
0xe: {  	s12 =	sadd.s32 s12, s0;
	s21 =	sadd.s32 s0, s13;
	s23 =	sadd.s32 s0, s14  }
0xf: {  	s6 =	sshrl.u32 s6, $0x3;
	s7 =	sadd.s32 s25, s3;
	s8 =	sadd.s32 s26, s3  }
0x10: {  	s9 =	sadd.s32 s9, s3;
	s10 =	sadd.s32 s10, s3;
	s5 =	sadd.s32 s19, s5  }
0x11: {  	s20 =	sshll.u32 s12, $0x4;
	s22 =	sshll.u32 s21, $0x4;
	s25 =	sadd.s32 s0, s15  }
0x12: {  	s0 =	sadd.s32 s0, s16;
	s18 =	smax.u32 s18, $0x1;
	s21 =	simm.s32 $0x16900  }
0x13: {  	s11 =	sadd.s32 s6, s2;
	s2 =	sadd.s32 $0x62200, s2;
	s6 =	sadd.s32 s24, s3  }
0x14: {  	[dreg:$0x6] =	wrdreg s5;
	s24 =	sshll.u32 s23, $0x4;
	s0 =	sshll.u32 s0, $0x4  }
0x15: {  	s23 =	simm.s32 $0x14000;
	s11 =	sadd.s32 $0x58200, s11;
	s5 =	sadd.s32 s2, s20  }
0x16: {  	s20 =	smul.u32 $0x500, s17;
	s15 =	sadd.s32 s2, s24;
	s17 =	sadd.s32 s2, s0  }
0x17: {  	s24 =	simm.s32 $0x16800;
	s0 =	simm.s32 $0x0;
	[dreg:$0x5] =	wrdreg s11  }
0x18: {  	[dreg:$0x7] =	wrdreg s5;
	s5 =	sadd.s32 s2, s22;
	s11 =	sshll.u32 s25, $0x4  }
0x19: {  	s22 =	simm.s32 $0x5;
	s25 =	simm.s32 $0x80;
	[dreg:$0x8] =	wrdreg s5  }
0x1a: {  	s16 =	sadd.s32 s2, s11;
	s26 =	sadd.s32 s20, s19;
	s2 =	simm.s32 $0x2  }
0x1b: {  	s19 =	sadd.s32 $0x4F0, s26;
	s20 =	sadd.s32 $0x10, s26;
	s26 =	simm.s32 $0x16880  }
.LBB2_1:
0x1c: {  	s5 =	rddreg [dreg:$0x4]  }
0x1d: {  	[tilespmem:s21], [sflag:$0x5] =	stream.linear.gather [hbm4b:s5+s4], $0x4000, $0x38;
	[tilespmem:$0x1E900] =	vst v63  }
0x1e: {  	_ =	swait.ge [sflag:s22], $0x4000  }
0x1f: {  	[sflag:s22] =	ssyncset.done $0x0  }
0x20: {  	[sflag:s22] =	ssyncadd.s32 $0xFFFFC000  }
0x21: {  	[spmem:s6] =	stream.linear.scatter [tilespmem:s21], [sflag:$0x5], $0x4000, $0x38;
	[tilespmem:$0x1E900] =	vst v63  }
0x22: {  	_ =	swait.ge [sflag:s22], $0x4000  }
0x23: {  	[sflag:s22] =	ssyncset.done $0x0  }
0x24: {  	[sflag:s22] =	ssyncadd.s32 $0xFFFFC000  }
0x25: {  	[spmem:s7] =	stream.linear.scatter [tilespmem:s21], [sflag:$0x5], $0x4000, $0x38;
	[tilespmem:$0x1E900] =	vst v63  }
0x26: {  	_ =	swait.ge [sflag:s22], $0x4000  }
0x27: {  	[sflag:s22] =	ssyncset.done $0x0  }
0x28: {  	[sflag:s22] =	ssyncadd.s32 $0xFFFFC000  }
0x29: {  	[spmem:s8] =	stream.linear.scatter [tilespmem:s21], [sflag:$0x5], $0x4000, $0x38;
	[tilespmem:$0x1E900] =	vst v63  }
0x2a: {  	_ =	swait.ge [sflag:s22], $0x4000  }
0x2b: {  	[sflag:s22] =	ssyncset.done $0x0  }
0x2c: {  	[sflag:s22] =	ssyncadd.s32 $0xFFFFC000  }
0x2d: {  	[spmem:s9] =	stream.linear.scatter [tilespmem:s21], [sflag:$0x5], $0x4000, $0x38;
	[tilespmem:$0x1E900] =	vst v63  }
0x2e: {  	_ =	swait.ge [sflag:s22], $0x4000  }
0x2f: {  	[sflag:s22] =	ssyncset.done $0x0  }
0x30: {  	[sflag:s22] =	ssyncadd.s32 $0xFFFFC000  }
0x31: {  	[spmem:s10] =	stream.linear.scatter [tilespmem:s21], [sflag:$0x5], $0x4000, $0x38;
	[tilespmem:$0x1E900] =	vst v63  }
0x32: {  	_ =	swait.ge [sflag:s22], $0x4000  }
0x33: {  	[sflag:s22] =	ssyncset.done $0x0  }
0x34: {  	s14 =	rddreg [dreg:$0x5];
	[sflag:s22] =	ssyncadd.s32 $0xFFFFC000  }
0x35: {  	[tilespmem:s23], [sflag:$0x5] =	stream.linear.gather [hbm4b:s14+s4], $0x2800, $0x38;
	[tilespmem:$0x1E900] =	vst v63  }
0x36: {  	_ =	swait.ge [sflag:s22], $0x2800  }
0x37: {  	[sflag:s22] =	ssyncset.done $0x0  }
0x38: {  	[sflag:s22] =	ssyncadd.s32 $0xFFFFD800  }
0x39: {  	[bflag:$0x0] =	sbarrier.arrive $0xFFFF  }
0x3a: {  	s11 =	rddreg [dreg:$0x6]  }
0x3b: {  	[tilespmem:s24], [sflag:$0x3] =	stream.linear.gather [hbm4b:s11+s4], $0x80, $0x38;
	[tilespmem:$0x1E900] =	vst v63  }
0x3c: {  	_ = 	snop  }
0x3d: {  	[tilespmem:s21], [sflag:$0x1] =	stream.indirect.gather [hbm4b:s1+s25], $0x80, s23, s25, $0xb8;
	[tilespmem:$0x1E900] =	vst v63  }
0x3e: {  	_ = 	snop  }
0x3f: {  	[tilespmem:s26], [sflag:$0x4] =	stream.linear.gather [hbm4b:s20+s4], $0x80, $0x38;
	[tilespmem:$0x1E900] =	vst v63  }
0x40: {  	s12 =	simm.s32 $0x14080  }
0x41: {  	[tilespmem:s28], [sflag:$0x2] =	stream.indirect.gather [hbm4b:s1+s25], $0x80, s12, s25, $0xb8;
	[tilespmem:$0x1E900] =	vst v63  }
0x42: {  	_ =	swait.ge [sflag:s29], $0x80  }
0x43: {  	[sflag:s29] =	ssyncset.done $0x0  }
0x44: {  	[sflag:s29] =	ssyncadd.s32 $0xFFFFFF80  }
0x45: {  	_ =	swait.ge [sflag:s30], $0x4000  }
0x46: {  	[sflag:s30] =	ssyncset.done $0x0  }
0x47: {  	[sflag:s30] =	ssyncadd.s32 $0xFFFFC000  }
0x48: {  	[spmem:s3] =	stream.indirect.scatter.add.f32 [tilespmem:s21], [sflag:$0x5], $0x80, s24, s25, $0xb8;
	[tilespmem:$0x1E900] =	vst v63  }
0x49: {  	_ =	swait.ge [sflag:s22], $0x4000  }
0x4a: {  	[sflag:s22] =	ssyncset.done $0x0  }
0x4b: {  	s13 =	sadd.s32 $0x10, s20;
	[sflag:s22] =	ssyncadd.s32 $0xFFFFC000  }
0x4c: {  	[tilespmem:s24], [sflag:$0x3] =	stream.linear.gather [hbm4b:s13+s4], $0x80, $0x38;
	[tilespmem:$0x1E900] =	vst v63  }
0x4d: {  	s14 =	simm.s32 $0x14100  }
0x4e: {  	[tilespmem:s21], [sflag:$0x1] =	stream.indirect.gather [hbm4b:s1+s25], $0x80, s14, s25, $0xb8;
	[tilespmem:$0x1E900] =	vst v63  }
0x4f: {  	_ =	swait.ge [sflag:s31], $0x80  }
0x50: {  	[sflag:s31] =	ssyncset.done $0x0  }
0x51: {  	[sflag:s31] =	ssyncadd.s32 $0xFFFFFF80  }
0x52: {  	_ =	swait.ge [sflag:s2], $0x4000  }
0x53: {  	[sflag:s2] =	ssyncset.done $0x0  }
0x54: {  	[sflag:s2] =	ssyncadd.s32 $0xFFFFC000  }
0x55: {  	[spmem:s3] =	stream.indirect.scatter.add.f32 [tilespmem:s28], [sflag:$0x5], $0x80, s26, s25, $0xb8;
	[tilespmem:$0x1E900] =	vst v63  }
0x56: {  	_ =	swait.ge [sflag:s22], $0x4000  }
0x57: {  	s5 =	sadd.s32 $0x20, s20;
	s11 =	simm.s32 $0xFFFF6800;
	[sflag:s22] =	ssyncset.done $0x0  }
.LBB2_2:
0x58: {  	s13 =	smov.u32 s11  }
0x59: {  	s12 =	sshra.s32 s11, $0x2;
	[sflag:s22] =	ssyncadd.s32 $0xFFFFC000;
	s13 =	sadd.s32 $0x400, s11  }
0x5a: {  	[tilespmem:s26], [sflag:$0x4] =	stream.linear.gather [hbm4b:s5+s4], $0x80, $0x38;
	[tilespmem:$0x1E900] =	vst v63  }
0x5b: {  	p0 =	sne.s32 s11, $0xFFFFFC00;
	s14 =	sadd.s32 $0x16780, s12  }
0x5c: {  	[tilespmem:s28], [sflag:$0x2] =	stream.indirect.gather [hbm4b:s1+s25], $0x80, s14, s25, $0xb8;
	[tilespmem:$0x1E900] =	vst v63  }
0x5d: {  	_ =	swait.ge [sflag:s29], $0x80  }
0x5e: {  	[sflag:s29] =	ssyncset.done $0x0  }
0x5f: {  	[sflag:s29] =	ssyncadd.s32 $0xFFFFFF80  }
0x60: {  	_ =	swait.ge [sflag:s30], $0x4000  }
0x61: {  	[sflag:s30] =	ssyncset.done $0x0  }
0x62: {  	[sflag:s30] =	ssyncadd.s32 $0xFFFFC000  }
0x63: {  	[spmem:s3] =	stream.indirect.scatter.add.f32 [tilespmem:s21], [sflag:$0x5], $0x80, s24, s25, $0xb8;
	[tilespmem:$0x1E900] =	vst v63  }
0x64: {  	_ =	swait.ge [sflag:s22], $0x4000  }
0x65: {  	[sflag:s22] =	ssyncset.done $0x0  }
0x66: {  	s11 =	sadd.s32 $0x10, s5;
	[sflag:s22] =	ssyncadd.s32 $0xFFFFC000  }
0x67: {  	[tilespmem:s24], [sflag:$0x3] =	stream.linear.gather [hbm4b:s11+s4], $0x80, $0x38;
	[tilespmem:$0x1E900] =	vst v63  }
0x68: {  	s11 =	sadd.s32 $0x16800, s12  }
0x69: {  	[tilespmem:s21], [sflag:$0x1] =	stream.indirect.gather [hbm4b:s1+s25], $0x80, s11, s25, $0xb8;
	[tilespmem:$0x1E900] =	vst v63  }
0x6a: {  	_ =	swait.ge [sflag:s31], $0x80  }
0x6b: {  	[sflag:s31] =	ssyncset.done $0x0  }
0x6c: {  	[sflag:s31] =	ssyncadd.s32 $0xFFFFFF80  }
0x6d: {  	_ =	swait.ge [sflag:s2], $0x4000  }
.Ltmp0:
0x6e: {  	[sflag:s2] =	ssyncset.done $0x0;
	(pc) =	sbr.rel @p0 .LBB2_2-.Ltmp0, $4  }
0x6f: {  	[sflag:s2] =	ssyncadd.s32 $0xFFFFC000  }
0x70: {  	[spmem:s3] =	stream.indirect.scatter.add.f32 [tilespmem:s28], [sflag:$0x5], $0x80, s26, s25, $0xb8;
	[tilespmem:$0x1E900] =	vst v63  }
0x71: {  	_ =	swait.ge [sflag:s22], $0x4000  }
0x72: {  	s5 =	sadd.s32 $0x20, s5;
	s11 =	smov.u32 s13;
	[sflag:s22] =	ssyncset.done $0x0  }
0x73: {  	[sflag:s22] =	ssyncadd.s32 $0xFFFFC000  }
0x74: {  	[tilespmem:s26], [sflag:$0x4] =	stream.linear.gather [hbm4b:s19+s4], $0x80, $0x38;
	[tilespmem:$0x1E900] =	vst v63  }
0x75: {  	s5 =	simm.s32 $0x16780  }
0x76: {  	[tilespmem:s28], [sflag:$0x2] =	stream.indirect.gather [hbm4b:s1+s25], $0x80, s5, s25, $0xb8;
	[tilespmem:$0x1E900] =	vst v63  }
0x77: {  	_ =	swait.ge [sflag:s29], $0x80  }
0x78: {  	[sflag:s29] =	ssyncset.done $0x0  }
0x79: {  	[sflag:s29] =	ssyncadd.s32 $0xFFFFFF80  }
0x7a: {  	_ =	swait.ge [sflag:s30], $0x4000  }
0x7b: {  	[sflag:s30] =	ssyncset.done $0x0  }
0x7c: {  	[sflag:s30] =	ssyncadd.s32 $0xFFFFC000  }
0x7d: {  	[spmem:s3] =	stream.indirect.scatter.add.f32 [tilespmem:s21], [sflag:$0x5], $0x80, s24, s25, $0xb8;
	[tilespmem:$0x1E900] =	vst v63  }
0x7e: {  	_ =	swait.ge [sflag:s22], $0x4000  }
0x7f: {  	[sflag:s22] =	ssyncset.done $0x0  }
0x80: {  	[sflag:s22] =	ssyncadd.s32 $0xFFFFC000  }
0x81: {  	_ =	swait.ge [sflag:s31], $0x80  }
0x82: {  	[sflag:s31] =	ssyncset.done $0x0  }
0x83: {  	[sflag:s31] =	ssyncadd.s32 $0xFFFFFF80  }
0x84: {  	_ =	swait.ge [sflag:s2], $0x4000  }
0x85: {  	[sflag:s2] =	ssyncset.done $0x0  }
0x86: {  	[sflag:s2] =	ssyncadd.s32 $0xFFFFC000  }
0x87: {  	[spmem:s3] =	stream.indirect.scatter.add.f32 [tilespmem:s28], [sflag:$0x5], $0x80, s26, s25, $0xb8;
	[tilespmem:$0x1E900] =	vst v63  }
0x88: {  	_ =	swait.ge [sflag:s22], $0x4000  }
0x89: {  	[sflag:s22] =	ssyncset.done $0x0  }
0x8a: {  	s12 =	stileid.u32;
	[sflag:s22] =	ssyncadd.s32 $0xFFFFC000  }
0x8b: {  	s5 =	sshll.u32 s12, $0x6;
	[bflag:$0x0] =	sbarrier.arrive $0xFFFF  }
0x8c: {  	s11 =	sshrl.u32 s6, $0x3;
	s5 =	sor.u32 $0x1C05, s5;
	s12 =	rddreg [dreg:$0x7]  }
0x8d: {  	[hbm:s12], [sflag:s5] =	dma.local [spmem:s11], $0x800  }
0x8e: {  	_ =	swait.ge [sflag:s22], $0x800  }
0x8f: {  	[sflag:s22] =	ssyncset.done $0x0  }
0x90: {  	s13 =	sshrl.u32 s7, $0x3;
	s14 =	rddreg [dreg:$0x8];
	[sflag:s22] =	ssyncadd.s32 $0xFFFFF800  }
0x91: {  	[hbm:s14], [sflag:s5] =	dma.local [spmem:s13], $0x800  }
0x92: {  	_ =	swait.ge [sflag:s22], $0x800  }
0x93: {  	[sflag:s22] =	ssyncset.done $0x0  }
0x94: {  	s12 =	sshrl.u32 s8, $0x3;
	[sflag:s22] =	ssyncadd.s32 $0xFFFFF800  }
0x95: {  	[hbm:s15], [sflag:s5] =	dma.local [spmem:s12], $0x800  }
0x96: {  	_ =	swait.ge [sflag:s22], $0x800  }
0x97: {  	[sflag:s22] =	ssyncset.done $0x0  }
0x98: {  	s13 =	sshrl.u32 s9, $0x3;
	[sflag:s22] =	ssyncadd.s32 $0xFFFFF800  }
0x99: {  	[hbm:s16], [sflag:s5] =	dma.local [spmem:s13], $0x800  }
0x9a: {  	s0 =	sadd.s32 $0x1, s0;
	_ =	swait.ge [sflag:s22], $0x800  }
0x9b: {  	p0 =	sne.s32 s0, s18;
	[sflag:s22] =	ssyncset.done $0x0  }
.Ltmp1:
0x9c: {  	s14 =	sshrl.u32 s10, $0x3;
	[sflag:s22] =	ssyncadd.s32 $0xFFFFF800;
	(pc) =	sbr.rel @p0 .LBB2_1-.Ltmp1, $4  }
0x9d: {  	[hbm:s17], [sflag:s5] =	dma.local [spmem:s14], $0x800  }
0x9e: {  	_ =	swait.ge [sflag:s22], $0x800  }
0x9f: {  	[sflag:s22] =	ssyncset.done $0x0  }
0xa0: {  	[sflag:s22] =	ssyncadd.s32 $0xFFFFF800  }
0xa1: {  	_ =	sfence.sel $0x180000  }
0xa2: {  	[bflag:$0x0] =	sbarrier.arrive $0xFFFF  }
0xa3: {  	_ =	strace $0x9000004A  }
0xa4: {  	s0 =	stileid.u32;
	[bflag:$0x2] =	sbarrier.arrive $0xFFFF  }
0xa5: {  	p0 =	sne.s32 s0, $0x0;
	s0 =	rddreg [dreg:$0x3]  }
0xa6: {  	s0 =	sadd.s32 @!p0 $0x100000, s0  }
0xa7: {  	[sflag:s0] =	ssyncadd.tile.s32 @!p0 $0x1;
	_ =	shalt  }
.Lfunc_end2:
_tile_overlayer_lowered:
.L_overlay_start_2:
0xa8: {  	(tag) =	ssettag $0x2  }
0xa9: {  	s0 =	rddreg [dreg:$0x0];
	s2 =	stileid.u32  }
0xaa: {  	s1 =	rddreg [dreg:$0x1];
	p0 =	sne.s32 s2, $0x0  }
0xab: {  	s3 =	rddreg [dreg:$0x2];
	[bflag:$0x3] =	sbarrier.arrive $0xFFFF;
	s2 =	simm.s32 @!p0 $0x1C05  }
0xac: {  	[timem:s3], [sflag:s2] =	dma.local @!p0 [hbm:s0], s1  }
0xad: {  	s0 =	simm.s32 @!p0 $0x5  }
0xae: {  	_ =	swait.ge @!p0 [sflag:s0], s1  }
0xaf: {  	s1 =	ssub.s32 @!p0 $0x0, s1;
	[sflag:s0] =	ssyncset.done @!p0 $0x0  }
0xb0: {  	[sflag:s0] =	ssyncadd.s32 @!p0 s1  }
0xb1: {  	[bflag:$0x3] =	sbarrier.arrive $0xFFFF  }
0xb2: {  	_ =	shalt  }

// kernel: kernel.15.cloned.1.call-start
scs
__scs_entry_jumppad:
0x0: {  	(pc) =	sbr.rel $0x88, $3  }
0x1: {  	(tag) =	ssettag $0x0;
	lr =	simm.s32 $0x1  }
0x2: {  	[smem:$0x3F97] =	sst lr;
	_ =	strace $0xD0000000  }
0x3: {  	_ = 	snop  }
0x4: {  	_ = 	snop  }
0x5: {  	_ = 	snop  }
0x6: {  	_ = 	snop  }
0x7: {  	_ = 	snop  }
__scs_overlays_trampoline_lowered:
0x8: {  	[smem:$0x3FA6] =	sst s0  }
0x9: {  	[smem:$0x3FA7] =	sst s1  }
0xa: {  	[smem:$0x3FA8] =	sst s2  }
0xb: {  	[smem:$0x3FA9] =	sst s3  }
0xc: {  	[smem:$0x3FAA] =	sst s4  }
0xd: {  	[smem:$0x3FAB] =	sst s5  }
0xe: {  	[smem:$0x3FAC] =	sst s6  }
0xf: {  	[smem:$0x3FAD] =	sst s7  }
0x10: {  	[smem:$0x3FAE] =	sst s8  }
0x11: {  	[smem:$0x3FAF] =	sst s9;
	s0 =	simm.s32 @!p0 $0x0  }
0x12: {  	s1 =	sld [smem:$0x3F95];
	s0 =	simm.s32 @p0 $0x1  }
0x13: {  	[smem:$0x3FB0] =	sst s0;
	s0 =	simm.s32 @!p1 $0x0  }
0x14: {  	s2 =	sld [smem:$0x3F94];
	s0 =	simm.s32 @p1 $0x1  }
0x15: {  	[smem:$0x3FB1] =	sst s0;
	s0 =	simm.s32 @!p2 $0x0  }
0x16: {  	s3 =	sld [smem:$0x3FDB];
	s0 =	simm.s32 @p2 $0x1  }
0x17: {  	s4 =	simm.s32 $0x1BF5;
	[smem:$0x3FB3] =	sst s0  }
0x18: {  	s0 =	sld [smem:$0x3F96];
	_ =	swait.ge [sflag:s4], $0x0  }
0x19: {  	s7 =	sld [smem:$0x3F97]  }
0x1a: {  	s8 =	sadd.s32 $0xFFFFE003, lr  }
0x1b: {  	s9 =	sadd.s32 $0xFFFFFEF7, lr;
	s5 =	simm.s32 $0xFFFFFFFF;
	p2 =	slt.u32 s8, $0xFFFFF086  }
0x1c: {  	p1 =	slt.u32 s9, $0xF7A;
	s5 =	simm.s32 @!p2 $0x0  }
0x1d: {  	s5 =	simm.s32 @p1 $0x1;
	p0 =	seq.s32 s7, s2  }
0x1e: {  	s7 =	smul.u32 @!p0 $0xF7A, s2;
	p2 =	seq.s32 @!p0 s5, $0x0  }
0x1f: {  	s9 =	smul.u32 $0xF7A, s1;
	s8 =	simm.s32 @!p0 $0x1BF5;
	p2 =	por !p2, p0  }
0x20: {  	[sflag:s8] =	ssyncset.s32 @!p0 $0xFFFFF086;
	s6 =	sadd.s32 @!p0 s3, s7;
	s7 =	simm.s32 @!p0 $0x108  }
0x21: {  	s3 =	sadd.s32 s3, s9;
	s6 =	sadd.s32 @!p0 $0x88, s6;
	s7 =	simm.s32 @p2 $0x1082  }
0x22: {  	[simem:s7], [sflag:s8] =	dma.local @!p0 [hbm:s6], $0xF7A  }
0x23: {  	s9 =	sor.u32 $0xD0000000, s2;
	s6 =	simm.s32 $0x108;
	_ =	swait.ge @!p0 [sflag:s8], $0x0  }
0x24: {  	s3 =	sadd.s32 $0x88, s3;
	s6 =	simm.s32 @!p1 $0x1082;
	[sflag:s4] =	ssyncset.s32 $0xFFFFF086  }
0x25: {  	[simem:s6], [sflag:s4] =	dma.local [hbm:s3], $0xF7A  }
0x26: {  	[smem:$0x3F97] =	sst s1;
	(tag) =	ssettag s2;
	_ =	strace s9  }
0x27: {  	s1 =	sld [smem:$0x3FA7]  }
0x28: {  	s2 =	sld [smem:$0x3FA8]  }
0x29: {  	s4 =	sld [smem:$0x3FAA]  }
0x2a: {  	p0 =	seq.s32 s5, $0x0;
	s5 =	sld [smem:$0x3FAB]  }
0x2b: {  	s6 =	sld [smem:$0x3FAC]  }
0x2c: {  	s7 =	sld [smem:$0x3FAD]  }
0x2d: {  	s3 =	simm.s32 $0x108;
	s8 =	sld [smem:$0x3FAE]  }
0x2e: {  	s3 =	simm.s32 @!p0 $0x1082;
	s9 =	sld [smem:$0x3FAF]  }
0x2f: {  	lr =	sadd.s32 s0, s3;
	s0 =	sld [smem:$0x3FA6]  }
0x30: {  	s3 =	sld [smem:$0x3FA9]  }
0x31: {  	[smem:$0x3FB2] =	sst s10  }
0x32: {  	s10 =	sld [smem:$0x3FB0];
	_ =	sdelay $0x3  }
0x33: {  	p0 =	seq.s32 s10, $0x1;
	s10 =	sld [smem:$0x3FB2];
	_ =	sdelay $0x3  }
0x34: {  	[smem:$0x3FB2] =	sst s10  }
0x35: {  	s10 =	sld [smem:$0x3FB1];
	_ =	sdelay $0x3  }
0x36: {  	p1 =	seq.s32 s10, $0x1;
	s10 =	sld [smem:$0x3FB2];
	_ =	sdelay $0x3  }
0x37: {  	[smem:$0x3FB2] =	sst s10  }
0x38: {  	s10 =	sld [smem:$0x3FB3]  }
0x39: {  	_ = 	snop;
	(pc) =	sbr.ind lr, $3  }
0x3a: {  	_ = 	snop  }
0x3b: {  	_ = 	snop  }
0x3c: {  	p2 =	seq.s32 s10, $0x1;
	s10 =	sld [smem:$0x3FB2]  }
0x3d: {  	_ =	shalt  }
0x3e: {  	_ =	shalt  }
0x3f: {  	_ =	shalt  }
0x40: {  	_ =	shalt  }
0x41: {  	_ =	shalt  }
0x42: {  	_ =	shalt  }
0x43: {  	_ =	shalt  }
0x44: {  	_ =	shalt  }
0x45: {  	_ =	shalt  }
0x46: {  	_ =	shalt  }
0x47: {  	_ =	shalt  }
0x48: {  	_ =	shalt  }
0x49: {  	_ =	shalt  }
0x4a: {  	_ =	shalt  }
0x4b: {  	_ =	shalt  }
0x4c: {  	_ =	shalt  }
0x4d: {  	_ =	shalt  }
0x4e: {  	_ =	shalt  }
0x4f: {  	_ =	shalt  }
0x50: {  	_ =	shalt  }
0x51: {  	_ =	shalt  }
0x52: {  	_ =	shalt  }
0x53: {  	_ =	shalt  }
0x54: {  	_ =	shalt  }
0x55: {  	_ =	shalt  }
0x56: {  	_ =	shalt  }
0x57: {  	_ =	shalt  }
0x58: {  	_ =	shalt  }
0x59: {  	_ =	shalt  }
0x5a: {  	_ =	shalt  }
0x5b: {  	_ =	shalt  }
0x5c: {  	_ =	shalt  }
0x5d: {  	_ =	shalt  }
0x5e: {  	_ =	shalt  }
0x5f: {  	_ =	shalt  }
0x60: {  	_ =	shalt  }
0x61: {  	_ =	shalt  }
0x62: {  	_ =	shalt  }
0x63: {  	_ =	shalt  }
0x64: {  	_ =	shalt  }
0x65: {  	_ =	shalt  }
0x66: {  	_ =	shalt  }
0x67: {  	_ =	shalt  }
0x68: {  	_ =	shalt  }
0x69: {  	_ =	shalt  }
0x6a: {  	_ =	shalt  }
0x6b: {  	_ =	shalt  }
0x6c: {  	_ =	shalt  }
0x6d: {  	_ =	shalt  }
0x6e: {  	_ =	shalt  }
0x6f: {  	_ =	shalt  }
0x70: {  	_ =	shalt  }
0x71: {  	_ =	shalt  }
0x72: {  	_ =	shalt  }
0x73: {  	_ =	shalt  }
0x74: {  	_ =	shalt  }
0x75: {  	_ =	shalt  }
0x76: {  	_ =	shalt  }
0x77: {  	_ =	shalt  }
0x78: {  	_ =	shalt  }
0x79: {  	_ =	shalt  }
0x7a: {  	_ =	shalt  }
0x7b: {  	_ =	shalt  }
0x7c: {  	_ =	shalt  }
0x7d: {  	_ =	shalt  }
0x7e: {  	_ =	shalt  }
0x7f: {  	_ =	shalt  }
0x80: {  	_ =	shalt  }
0x81: {  	_ =	shalt  }
0x82: {  	_ =	shalt  }
0x83: {  	_ =	shalt  }
0x84: {  	_ =	shalt  }
0x85: {  	_ =	shalt  }
0x86: {  	_ =	shalt  }
0x87: {  	_ =	shalt  }
.Lfunc_end0:
.L_simem_size_0:
called_computation.2_lowered:
.L_overlay_start_0:
0x88: {  	s2 =	sld [smem:$0x3FD9]  }
0x89: {  	s3 =	sld [smem:$0x3FFE];
	_ =	sdelay $0x1  }
0x8a: {  	s1 =	srdreg.scid  }
0x8b: {  	s0 =	sand.u32 $0x1, s1  }
0x8c: {  	s17 =	sshll.u32 s0, $0xA;
	s2 =	sadd.s32 s3, s2  }
0x8d: {  	s2 =	sadd.s32 s2, s17  }
0x8e: {  	[smem:$0x3FBE] =	sst s2  }
0x8f: {  	_ = 	snop  }
0x90: {  	s2 =	sld [smem:$0x3FD0];
	(tm) =	ssettm $0x1  }
0x91: {  	s18 =	sld [smem:$0x3FFB];
	_ =	sdelay $0x3  }
0x92: {  	_ =	strace s18  }
0x93: {  	s3 =	sld [smem:$0x3FFC];
	_ =	sdelay $0x3  }
0x94: {  	_ =	strace s3  }
0x95: {  	s3 =	sld [smem:$0x3FFD];
	_ =	sdelay $0x3  }
0x96: {  	_ =	strace s3  }
0x97: {  	_ =	strace $0x8FFFFFFF  }
0x98: {  	s19 =	sld [smem:$0x3FDB];
	_ =	sdelay $0x1  }
0x99: {  	s4 =	simm.s32 $_scs_section_size  }
0x9a: {  	s5 =	simm.s32 $_size__tile_overlayer_lowered;
	s6 =	simm.s32 $_tile_overlayer_lowered  }
0x9b: {  	s22 =	simm.s32 $0x1BFF;
	s21 =	sshll.u32 s6, $0x1;
	s3 =	sadd.s32 s4, s19  }
0x9c: {  	s7 =	simm.s32 $0x0;
	s20 =	sshll.u32 s5, $0x1;
	s5 =	sadd.s32 s21, s3  }
0x9d: {  	[timem:s7], [sflag:s22] =	dma.local [hbm:s5], s20  }
0x9e: {  	_ =	swait.ge [sflag:s22], s20  }
0x9f: {  	s4 =	ssub.s32 $0x0, s20;
	[sflag:s22] =	ssyncset.done $0x0  }
0xa0: {  	[sflag:s22] =	ssyncadd.s32 s4;
	_ =	sdelay $0x1  }
0xa1: {  	s23 =	simm.s32 $0x1B8B  }
0xa2: {  	_ =	swait.ge [sflag:s23], $0x1  }
0xa3: {  	[sflag:s23] =	ssyncset.done $0x0  }
0xa4: {  	s25 =	simm.s32 $0x1B8E;
	s24 =	sld [smem:$0x3FFE];
	[sflag:s23] =	ssyncadd.s32 $0xFFFFFFFF  }
0xa5: {  	s26 =	simm.s32 $execute0_lowered;
	[smem:$0x3FD2] =	sst s25  }
0xa6: {  	s5 =	sshll.u32 s26, $0x1;
	_ =	strace $0x8000004C;
	[dreg:$0x1] =	wrdreg $0xFFFFFFFF  }
0xa7: {  	s28 =	simm.s32 $_size_execute0_lowered;
	s3 =	sadd.s32 s3, s5;
	[dreg:$0x0] =	wrdreg $0x0  }
0xa8: {  	s5 =	sshll.u32 s28, $0x1;
	[dreg:$0x2] =	wrdreg s3  }
0xa9: {  	[dreg:$0x3] =	wrdreg s5  }
0xaa: {  	[dreg:$0x4] =	wrdreg $0xC0  }
0xab: {  	_ =	task [dreg:s7], $0x5FFFF  }
0xac: {  	[dreg:$0x1] =	wrdreg $0xFFFFFFFF  }
0xad: {  	[dreg:$0x0] =	wrdreg $0x60  }
0xae: {  	[dreg:$0x2] =	wrdreg s2  }
0xaf: {  	[dreg:$0x3] =	wrdreg s24  }
0xb0: {  	[dreg:$0x4] =	wrdreg $0x0  }
0xb1: {  	[dreg:$0x5] =	wrdreg $0x9  }
0xb2: {  	_ =	task.clear_ibuf [dreg:s7], $0x6FFFF;
	_ =	strace $0x9000004C  }
0xb3: {  	s29 =	simm.s32 $0x9;
	_ =	strace $0x8000004E  }
0xb4: {  	_ =	swait.ge [sflag:s29], $0x1  }
0xb5: {  	[sflag:s29] =	ssyncadd.s32 $0xFFFFFFFF  }
0xb6: {  	_ =	strace $0x9000004E  }
0xb7: {  	_ =	sfence  }
0xb8: {  	s30 =	sld [smem:$0x0];
	_ =	sdelay $0x2  }
0xb9: {  	s31 =	sshll.u32 s1, $0xD;
	s1 =	sshrl.u32 s1, $0x2  }
0xba: {  	s3 =	sand.u32 $0x4000, s31;
	s1 =	sadd.s32 s1, s30  }
0xbb: {  	s0 =	sor.u32 s3, s0;
	s1 =	sshll.u32 s1, $0x11  }
0xbc: {  	s0 =	sor.u32 s1, s0  }
0xbd: {  	s0 =	sadd.s32 $0x8F2B, s0  }
0xbe: {  	[sflag:s0] =	ssyncadd.remote.s32 $0x1  }
0xbf: {  	_ =	sfence.sel $0xFFFF  }
0xc0: {  	[dreg:$0x0] =	wrdreg $0xFFFFFFFF;
	(pc) =	sbr.abs _section_cstart, $3  }
0xc1: {  	[dreg:$0x1] =	wrdreg $0xFFFFFFFF  }
0xc2: {  	_ =	task.clear_ibuf [dreg:s7], $0x2FFFF;
	_ =	strace $0x9FFFFFFF  }
0xc3: {  	(tm) =	ssettm $0x7FFFFFFF  }
tec
execute0_lowered:
.L_overlay_start_1:
0x0: {  	(tag) =	ssettag $0x1  }
0x1: {  	s1 =	rddreg [dreg:$0x0]  }
0x2: {  	s0 =	srdreg.scid;
	s2 =	rddreg [dreg:$0x1]  }
0x3: {  	s17 =	stileid.u32;
	s3 =	rddreg [dreg:$0x2]  }
0x4: {  	s4 =	simm.s32 $0x0;
	s28 =	simm.s32 $0x1A900;
	s29 =	simm.s32 $0x3  }
0x5: {  	s30 =	simm.s32 $0x1;
	s31 =	simm.s32 $0x4;
	s5 =	smul.u32 $0x2800, s17  }
0x6: {  	s0 =	sand.u32 $0x1, s0;
	[smem:$0x7FF] =	sst s4;
	s12 =	smul.u32 $0x280, s17  }
0x7: {  	s19 =	sadd.s32 $0x2200, s2;
	s22 =	sadd.s32 $0x7200, s2;
	s7 =	smul.u32 $0x50000, s17  }
0x8: {  	s6 =	smul.u32 $0x28000, s0;
	_ =	strace $0x8000004D;
	s23 =	ssub.s32 $0x2, s0  }
0x9: {  	[dreg:$0x4] =	wrdreg s22;
	s0 =	smul.u32 $0x2800, s0;
	s8 =	sshrl.u32 s23, $0x1  }
0xa: {  	s13 =	sadd.s32 $0x80, s12;
	s24 =	sshrl.u32 s7, $0x2;
	s14 =	sadd.s32 $0x100, s12  }
0xb: {  	s15 =	sadd.s32 $0x180, s12;
	s16 =	sadd.s32 $0x200, s12;
	s6 =	sadd.s32 s5, s6  }
0xc: {  	s18 =	ssub.s32 s23, s8;
	s25 =	sshll.u32 s13, $0x7;
	s26 =	sshll.u32 s14, $0x7  }
0xd: {  	s9 =	sshll.u32 s15, $0x7;
	s10 =	sshll.u32 s16, $0x7;
	s5 =	sshrl.u32 s5, $0x3  }
0xe: {  	s12 =	sadd.s32 s12, s0;
	s21 =	sadd.s32 s0, s13;
	s23 =	sadd.s32 s0, s14  }
0xf: {  	s6 =	sshrl.u32 s6, $0x3;
	s7 =	sadd.s32 s25, s3;
	s8 =	sadd.s32 s26, s3  }
0x10: {  	s9 =	sadd.s32 s9, s3;
	s10 =	sadd.s32 s10, s3;
	s5 =	sadd.s32 s19, s5  }
0x11: {  	s20 =	sshll.u32 s12, $0x4;
	s22 =	sshll.u32 s21, $0x4;
	s25 =	sadd.s32 s0, s15  }
0x12: {  	s0 =	sadd.s32 s0, s16;
	s18 =	smax.u32 s18, $0x1;
	s21 =	simm.s32 $0x16900  }
0x13: {  	s11 =	sadd.s32 s6, s2;
	s2 =	sadd.s32 $0x62200, s2;
	s6 =	sadd.s32 s24, s3  }
0x14: {  	[dreg:$0x6] =	wrdreg s5;
	s24 =	sshll.u32 s23, $0x4;
	s0 =	sshll.u32 s0, $0x4  }
0x15: {  	s23 =	simm.s32 $0x14000;
	s11 =	sadd.s32 $0x58200, s11;
	s5 =	sadd.s32 s2, s20  }
0x16: {  	s20 =	smul.u32 $0x500, s17;
	s15 =	sadd.s32 s2, s24;
	s17 =	sadd.s32 s2, s0  }
0x17: {  	s24 =	simm.s32 $0x16800;
	s0 =	simm.s32 $0x0;
	[dreg:$0x5] =	wrdreg s11  }
0x18: {  	[dreg:$0x7] =	wrdreg s5;
	s5 =	sadd.s32 s2, s22;
	s11 =	sshll.u32 s25, $0x4  }
0x19: {  	s22 =	simm.s32 $0x5;
	s25 =	simm.s32 $0x80;
	[dreg:$0x8] =	wrdreg s5  }
0x1a: {  	s16 =	sadd.s32 s2, s11;
	s26 =	sadd.s32 s20, s19;
	s2 =	simm.s32 $0x2  }
0x1b: {  	s19 =	sadd.s32 $0x4F0, s26;
	s20 =	sadd.s32 $0x10, s26;
	s26 =	simm.s32 $0x16880  }
.LBB2_1:
0x1c: {  	s5 =	rddreg [dreg:$0x4]  }
0x1d: {  	[tilespmem:s21], [sflag:$0x5] =	stream.linear.gather [hbm4b:s5+s4], $0x4000, $0x38;
	[tilespmem:$0x1E900] =	vst v63  }
0x1e: {  	_ =	swait.ge [sflag:s22], $0x4000  }
0x1f: {  	[sflag:s22] =	ssyncset.done $0x0  }
0x20: {  	[sflag:s22] =	ssyncadd.s32 $0xFFFFC000  }
0x21: {  	[spmem:s6] =	stream.linear.scatter [tilespmem:s21], [sflag:$0x5], $0x4000, $0x38;
	[tilespmem:$0x1E900] =	vst v63  }
0x22: {  	_ =	swait.ge [sflag:s22], $0x4000  }
0x23: {  	[sflag:s22] =	ssyncset.done $0x0  }
0x24: {  	[sflag:s22] =	ssyncadd.s32 $0xFFFFC000  }
0x25: {  	[spmem:s7] =	stream.linear.scatter [tilespmem:s21], [sflag:$0x5], $0x4000, $0x38;
	[tilespmem:$0x1E900] =	vst v63  }
0x26: {  	_ =	swait.ge [sflag:s22], $0x4000  }
0x27: {  	[sflag:s22] =	ssyncset.done $0x0  }
0x28: {  	[sflag:s22] =	ssyncadd.s32 $0xFFFFC000  }
0x29: {  	[spmem:s8] =	stream.linear.scatter [tilespmem:s21], [sflag:$0x5], $0x4000, $0x38;
	[tilespmem:$0x1E900] =	vst v63  }
0x2a: {  	_ =	swait.ge [sflag:s22], $0x4000  }
0x2b: {  	[sflag:s22] =	ssyncset.done $0x0  }
0x2c: {  	[sflag:s22] =	ssyncadd.s32 $0xFFFFC000  }
0x2d: {  	[spmem:s9] =	stream.linear.scatter [tilespmem:s21], [sflag:$0x5], $0x4000, $0x38;
	[tilespmem:$0x1E900] =	vst v63  }
0x2e: {  	_ =	swait.ge [sflag:s22], $0x4000  }
0x2f: {  	[sflag:s22] =	ssyncset.done $0x0  }
0x30: {  	[sflag:s22] =	ssyncadd.s32 $0xFFFFC000  }
0x31: {  	[spmem:s10] =	stream.linear.scatter [tilespmem:s21], [sflag:$0x5], $0x4000, $0x38;
	[tilespmem:$0x1E900] =	vst v63  }
0x32: {  	_ =	swait.ge [sflag:s22], $0x4000  }
0x33: {  	[sflag:s22] =	ssyncset.done $0x0  }
0x34: {  	s14 =	rddreg [dreg:$0x5];
	[sflag:s22] =	ssyncadd.s32 $0xFFFFC000  }
0x35: {  	[tilespmem:s23], [sflag:$0x5] =	stream.linear.gather [hbm4b:s14+s4], $0x2800, $0x38;
	[tilespmem:$0x1E900] =	vst v63  }
0x36: {  	_ =	swait.ge [sflag:s22], $0x2800  }
0x37: {  	[sflag:s22] =	ssyncset.done $0x0  }
0x38: {  	[sflag:s22] =	ssyncadd.s32 $0xFFFFD800  }
0x39: {  	[bflag:$0x0] =	sbarrier.arrive $0xFFFF  }
0x3a: {  	s11 =	rddreg [dreg:$0x6]  }
0x3b: {  	[tilespmem:s24], [sflag:$0x3] =	stream.linear.gather [hbm4b:s11+s4], $0x80, $0x38;
	[tilespmem:$0x1E900] =	vst v63  }
0x3c: {  	_ = 	snop  }
0x3d: {  	[tilespmem:s21], [sflag:$0x1] =	stream.indirect.gather [hbm4b:s1+s25], $0x80, s23, s25, $0xb8;
	[tilespmem:$0x1E900] =	vst v63  }
0x3e: {  	_ = 	snop  }
0x3f: {  	[tilespmem:s26], [sflag:$0x4] =	stream.linear.gather [hbm4b:s20+s4], $0x80, $0x38;
	[tilespmem:$0x1E900] =	vst v63  }
0x40: {  	s12 =	simm.s32 $0x14080  }
0x41: {  	[tilespmem:s28], [sflag:$0x2] =	stream.indirect.gather [hbm4b:s1+s25], $0x80, s12, s25, $0xb8;
	[tilespmem:$0x1E900] =	vst v63  }
0x42: {  	_ =	swait.ge [sflag:s29], $0x80  }
0x43: {  	[sflag:s29] =	ssyncset.done $0x0  }
0x44: {  	[sflag:s29] =	ssyncadd.s32 $0xFFFFFF80  }
0x45: {  	_ =	swait.ge [sflag:s30], $0x4000  }
0x46: {  	[sflag:s30] =	ssyncset.done $0x0  }
0x47: {  	[sflag:s30] =	ssyncadd.s32 $0xFFFFC000  }
0x48: {  	[spmem:s3] =	stream.indirect.scatter.add.f32 [tilespmem:s21], [sflag:$0x5], $0x80, s24, s25, $0xb8;
	[tilespmem:$0x1E900] =	vst v63  }
0x49: {  	_ =	swait.ge [sflag:s22], $0x4000  }
0x4a: {  	[sflag:s22] =	ssyncset.done $0x0  }
0x4b: {  	s13 =	sadd.s32 $0x10, s20;
	[sflag:s22] =	ssyncadd.s32 $0xFFFFC000  }
0x4c: {  	[tilespmem:s24], [sflag:$0x3] =	stream.linear.gather [hbm4b:s13+s4], $0x80, $0x38;
	[tilespmem:$0x1E900] =	vst v63  }
0x4d: {  	s14 =	simm.s32 $0x14100  }
0x4e: {  	[tilespmem:s21], [sflag:$0x1] =	stream.indirect.gather [hbm4b:s1+s25], $0x80, s14, s25, $0xb8;
	[tilespmem:$0x1E900] =	vst v63  }
0x4f: {  	_ =	swait.ge [sflag:s31], $0x80  }
0x50: {  	[sflag:s31] =	ssyncset.done $0x0  }
0x51: {  	[sflag:s31] =	ssyncadd.s32 $0xFFFFFF80  }
0x52: {  	_ =	swait.ge [sflag:s2], $0x4000  }
0x53: {  	[sflag:s2] =	ssyncset.done $0x0  }
0x54: {  	[sflag:s2] =	ssyncadd.s32 $0xFFFFC000  }
0x55: {  	[spmem:s3] =	stream.indirect.scatter.add.f32 [tilespmem:s28], [sflag:$0x5], $0x80, s26, s25, $0xb8;
	[tilespmem:$0x1E900] =	vst v63  }
0x56: {  	_ =	swait.ge [sflag:s22], $0x4000  }
0x57: {  	s5 =	sadd.s32 $0x20, s20;
	s11 =	simm.s32 $0xFFFF6800;
	[sflag:s22] =	ssyncset.done $0x0  }
.LBB2_2:
0x58: {  	s13 =	smov.u32 s11  }
0x59: {  	s12 =	sshra.s32 s11, $0x2;
	[sflag:s22] =	ssyncadd.s32 $0xFFFFC000;
	s13 =	sadd.s32 $0x400, s11  }
0x5a: {  	[tilespmem:s26], [sflag:$0x4] =	stream.linear.gather [hbm4b:s5+s4], $0x80, $0x38;
	[tilespmem:$0x1E900] =	vst v63  }
0x5b: {  	p0 =	sne.s32 s11, $0xFFFFFC00;
	s14 =	sadd.s32 $0x16780, s12  }
0x5c: {  	[tilespmem:s28], [sflag:$0x2] =	stream.indirect.gather [hbm4b:s1+s25], $0x80, s14, s25, $0xb8;
	[tilespmem:$0x1E900] =	vst v63  }
0x5d: {  	_ =	swait.ge [sflag:s29], $0x80  }
0x5e: {  	[sflag:s29] =	ssyncset.done $0x0  }
0x5f: {  	[sflag:s29] =	ssyncadd.s32 $0xFFFFFF80  }
0x60: {  	_ =	swait.ge [sflag:s30], $0x4000  }
0x61: {  	[sflag:s30] =	ssyncset.done $0x0  }
0x62: {  	[sflag:s30] =	ssyncadd.s32 $0xFFFFC000  }
0x63: {  	[spmem:s3] =	stream.indirect.scatter.add.f32 [tilespmem:s21], [sflag:$0x5], $0x80, s24, s25, $0xb8;
	[tilespmem:$0x1E900] =	vst v63  }
0x64: {  	_ =	swait.ge [sflag:s22], $0x4000  }
0x65: {  	[sflag:s22] =	ssyncset.done $0x0  }
0x66: {  	s11 =	sadd.s32 $0x10, s5;
	[sflag:s22] =	ssyncadd.s32 $0xFFFFC000  }
0x67: {  	[tilespmem:s24], [sflag:$0x3] =	stream.linear.gather [hbm4b:s11+s4], $0x80, $0x38;
	[tilespmem:$0x1E900] =	vst v63  }
0x68: {  	s11 =	sadd.s32 $0x16800, s12  }
0x69: {  	[tilespmem:s21], [sflag:$0x1] =	stream.indirect.gather [hbm4b:s1+s25], $0x80, s11, s25, $0xb8;
	[tilespmem:$0x1E900] =	vst v63  }
0x6a: {  	_ =	swait.ge [sflag:s31], $0x80  }
0x6b: {  	[sflag:s31] =	ssyncset.done $0x0  }
0x6c: {  	[sflag:s31] =	ssyncadd.s32 $0xFFFFFF80  }
0x6d: {  	_ =	swait.ge [sflag:s2], $0x4000  }
.Ltmp0:
0x6e: {  	[sflag:s2] =	ssyncset.done $0x0;
	(pc) =	sbr.rel @p0 .LBB2_2-.Ltmp0, $4  }
0x6f: {  	[sflag:s2] =	ssyncadd.s32 $0xFFFFC000  }
0x70: {  	[spmem:s3] =	stream.indirect.scatter.add.f32 [tilespmem:s28], [sflag:$0x5], $0x80, s26, s25, $0xb8;
	[tilespmem:$0x1E900] =	vst v63  }
0x71: {  	_ =	swait.ge [sflag:s22], $0x4000  }
0x72: {  	s5 =	sadd.s32 $0x20, s5;
	s11 =	smov.u32 s13;
	[sflag:s22] =	ssyncset.done $0x0  }
0x73: {  	[sflag:s22] =	ssyncadd.s32 $0xFFFFC000  }
0x74: {  	[tilespmem:s26], [sflag:$0x4] =	stream.linear.gather [hbm4b:s19+s4], $0x80, $0x38;
	[tilespmem:$0x1E900] =	vst v63  }
0x75: {  	s5 =	simm.s32 $0x16780  }
0x76: {  	[tilespmem:s28], [sflag:$0x2] =	stream.indirect.gather [hbm4b:s1+s25], $0x80, s5, s25, $0xb8;
	[tilespmem:$0x1E900] =	vst v63  }
0x77: {  	_ =	swait.ge [sflag:s29], $0x80  }
0x78: {  	[sflag:s29] =	ssyncset.done $0x0  }
0x79: {  	[sflag:s29] =	ssyncadd.s32 $0xFFFFFF80  }
0x7a: {  	_ =	swait.ge [sflag:s30], $0x4000  }
0x7b: {  	[sflag:s30] =	ssyncset.done $0x0  }
0x7c: {  	[sflag:s30] =	ssyncadd.s32 $0xFFFFC000  }
0x7d: {  	[spmem:s3] =	stream.indirect.scatter.add.f32 [tilespmem:s21], [sflag:$0x5], $0x80, s24, s25, $0xb8;
	[tilespmem:$0x1E900] =	vst v63  }
0x7e: {  	_ =	swait.ge [sflag:s22], $0x4000  }
0x7f: {  	[sflag:s22] =	ssyncset.done $0x0  }
0x80: {  	[sflag:s22] =	ssyncadd.s32 $0xFFFFC000  }
0x81: {  	_ =	swait.ge [sflag:s31], $0x80  }
0x82: {  	[sflag:s31] =	ssyncset.done $0x0  }
0x83: {  	[sflag:s31] =	ssyncadd.s32 $0xFFFFFF80  }
0x84: {  	_ =	swait.ge [sflag:s2], $0x4000  }
0x85: {  	[sflag:s2] =	ssyncset.done $0x0  }
0x86: {  	[sflag:s2] =	ssyncadd.s32 $0xFFFFC000  }
0x87: {  	[spmem:s3] =	stream.indirect.scatter.add.f32 [tilespmem:s28], [sflag:$0x5], $0x80, s26, s25, $0xb8;
	[tilespmem:$0x1E900] =	vst v63  }
0x88: {  	_ =	swait.ge [sflag:s22], $0x4000  }
0x89: {  	[sflag:s22] =	ssyncset.done $0x0  }
0x8a: {  	s12 =	stileid.u32;
	[sflag:s22] =	ssyncadd.s32 $0xFFFFC000  }
0x8b: {  	s5 =	sshll.u32 s12, $0x6;
	[bflag:$0x0] =	sbarrier.arrive $0xFFFF  }
0x8c: {  	s11 =	sshrl.u32 s6, $0x3;
	s5 =	sor.u32 $0x1C05, s5;
	s12 =	rddreg [dreg:$0x7]  }
0x8d: {  	[hbm:s12], [sflag:s5] =	dma.local [spmem:s11], $0x800  }
0x8e: {  	_ =	swait.ge [sflag:s22], $0x800  }
0x8f: {  	[sflag:s22] =	ssyncset.done $0x0  }
0x90: {  	s13 =	sshrl.u32 s7, $0x3;
	s14 =	rddreg [dreg:$0x8];
	[sflag:s22] =	ssyncadd.s32 $0xFFFFF800  }
0x91: {  	[hbm:s14], [sflag:s5] =	dma.local [spmem:s13], $0x800  }
0x92: {  	_ =	swait.ge [sflag:s22], $0x800  }
0x93: {  	[sflag:s22] =	ssyncset.done $0x0  }
0x94: {  	s12 =	sshrl.u32 s8, $0x3;
	[sflag:s22] =	ssyncadd.s32 $0xFFFFF800  }
0x95: {  	[hbm:s15], [sflag:s5] =	dma.local [spmem:s12], $0x800  }
0x96: {  	_ =	swait.ge [sflag:s22], $0x800  }
0x97: {  	[sflag:s22] =	ssyncset.done $0x0  }
0x98: {  	s13 =	sshrl.u32 s9, $0x3;
	[sflag:s22] =	ssyncadd.s32 $0xFFFFF800  }
0x99: {  	[hbm:s16], [sflag:s5] =	dma.local [spmem:s13], $0x800  }
0x9a: {  	s0 =	sadd.s32 $0x1, s0;
	_ =	swait.ge [sflag:s22], $0x800  }
0x9b: {  	p0 =	sne.s32 s0, s18;
	[sflag:s22] =	ssyncset.done $0x0  }
.Ltmp1:
0x9c: {  	s14 =	sshrl.u32 s10, $0x3;
	[sflag:s22] =	ssyncadd.s32 $0xFFFFF800;
	(pc) =	sbr.rel @p0 .LBB2_1-.Ltmp1, $4  }
0x9d: {  	[hbm:s17], [sflag:s5] =	dma.local [spmem:s14], $0x800  }
0x9e: {  	_ =	swait.ge [sflag:s22], $0x800  }
0x9f: {  	[sflag:s22] =	ssyncset.done $0x0  }
0xa0: {  	[sflag:s22] =	ssyncadd.s32 $0xFFFFF800  }
0xa1: {  	_ =	sfence.sel $0x180000  }
0xa2: {  	[bflag:$0x0] =	sbarrier.arrive $0xFFFF  }
0xa3: {  	_ =	strace $0x9000004D  }
0xa4: {  	s0 =	stileid.u32;
	[bflag:$0x2] =	sbarrier.arrive $0xFFFF  }
0xa5: {  	p0 =	sne.s32 s0, $0x0;
	s0 =	rddreg [dreg:$0x3]  }
0xa6: {  	s0 =	sadd.s32 @!p0 $0x100000, s0  }
0xa7: {  	[sflag:s0] =	ssyncadd.tile.s32 @!p0 $0x1;
	_ =	shalt  }
.Lfunc_end2:
_tile_overlayer_lowered:
.L_overlay_start_2:
0xa8: {  	(tag) =	ssettag $0x2  }
0xa9: {  	s0 =	rddreg [dreg:$0x0];
	s2 =	stileid.u32  }
0xaa: {  	s1 =	rddreg [dreg:$0x1];
	p0 =	sne.s32 s2, $0x0  }
0xab: {  	s3 =	rddreg [dreg:$0x2];
	[bflag:$0x3] =	sbarrier.arrive $0xFFFF;
	s2 =	simm.s32 @!p0 $0x1C05  }
0xac: {  	[timem:s3], [sflag:s2] =	dma.local @!p0 [hbm:s0], s1  }
0xad: {  	s0 =	simm.s32 @!p0 $0x5  }
0xae: {  	_ =	swait.ge @!p0 [sflag:s0], s1  }
0xaf: {  	s1 =	ssub.s32 @!p0 $0x0, s1;
	[sflag:s0] =	ssyncset.done @!p0 $0x0  }
0xb0: {  	[sflag:s0] =	ssyncadd.s32 @!p0 s1  }
0xb1: {  	[bflag:$0x3] =	sbarrier.arrive $0xFFFF  }
0xb2: {  	_ =	shalt  }

// kernel: kernel.9.cloned.1.call-start
scs
__scs_entry_jumppad:
0x0: {  	(pc) =	sbr.rel $0x88, $3  }
0x1: {  	(tag) =	ssettag $0x0;
	lr =	simm.s32 $0x1  }
0x2: {  	[smem:$0x3F97] =	sst lr;
	_ =	strace $0xD0000000  }
0x3: {  	_ = 	snop  }
0x4: {  	_ = 	snop  }
0x5: {  	_ = 	snop  }
0x6: {  	_ = 	snop  }
0x7: {  	_ = 	snop  }
__scs_overlays_trampoline_lowered:
0x8: {  	[smem:$0x3FA6] =	sst s0  }
0x9: {  	[smem:$0x3FA7] =	sst s1  }
0xa: {  	[smem:$0x3FA8] =	sst s2  }
0xb: {  	[smem:$0x3FA9] =	sst s3  }
0xc: {  	[smem:$0x3FAA] =	sst s4  }
0xd: {  	[smem:$0x3FAB] =	sst s5  }
0xe: {  	[smem:$0x3FAC] =	sst s6  }
0xf: {  	[smem:$0x3FAD] =	sst s7  }
0x10: {  	[smem:$0x3FAE] =	sst s8  }
0x11: {  	[smem:$0x3FAF] =	sst s9;
	s0 =	simm.s32 @!p0 $0x0  }
0x12: {  	s1 =	sld [smem:$0x3F95];
	s0 =	simm.s32 @p0 $0x1  }
0x13: {  	[smem:$0x3FB0] =	sst s0;
	s0 =	simm.s32 @!p1 $0x0  }
0x14: {  	s2 =	sld [smem:$0x3F94];
	s0 =	simm.s32 @p1 $0x1  }
0x15: {  	[smem:$0x3FB1] =	sst s0;
	s0 =	simm.s32 @!p2 $0x0  }
0x16: {  	s3 =	sld [smem:$0x3FDB];
	s0 =	simm.s32 @p2 $0x1  }
0x17: {  	s4 =	simm.s32 $0x1BF5;
	[smem:$0x3FB3] =	sst s0  }
0x18: {  	s0 =	sld [smem:$0x3F96];
	_ =	swait.ge [sflag:s4], $0x0  }
0x19: {  	s7 =	sld [smem:$0x3F97]  }
0x1a: {  	s8 =	sadd.s32 $0xFFFFE003, lr  }
0x1b: {  	s9 =	sadd.s32 $0xFFFFFEF7, lr;
	s5 =	simm.s32 $0xFFFFFFFF;
	p2 =	slt.u32 s8, $0xFFFFF086  }
0x1c: {  	p1 =	slt.u32 s9, $0xF7A;
	s5 =	simm.s32 @!p2 $0x0  }
0x1d: {  	s5 =	simm.s32 @p1 $0x1;
	p0 =	seq.s32 s7, s2  }
0x1e: {  	s7 =	smul.u32 @!p0 $0xF7A, s2;
	p2 =	seq.s32 @!p0 s5, $0x0  }
0x1f: {  	s9 =	smul.u32 $0xF7A, s1;
	s8 =	simm.s32 @!p0 $0x1BF5;
	p2 =	por !p2, p0  }
0x20: {  	[sflag:s8] =	ssyncset.s32 @!p0 $0xFFFFF086;
	s6 =	sadd.s32 @!p0 s3, s7;
	s7 =	simm.s32 @!p0 $0x108  }
0x21: {  	s3 =	sadd.s32 s3, s9;
	s6 =	sadd.s32 @!p0 $0x88, s6;
	s7 =	simm.s32 @p2 $0x1082  }
0x22: {  	[simem:s7], [sflag:s8] =	dma.local @!p0 [hbm:s6], $0xF7A  }
0x23: {  	s9 =	sor.u32 $0xD0000000, s2;
	s6 =	simm.s32 $0x108;
	_ =	swait.ge @!p0 [sflag:s8], $0x0  }
0x24: {  	s3 =	sadd.s32 $0x88, s3;
	s6 =	simm.s32 @!p1 $0x1082;
	[sflag:s4] =	ssyncset.s32 $0xFFFFF086  }
0x25: {  	[simem:s6], [sflag:s4] =	dma.local [hbm:s3], $0xF7A  }
0x26: {  	[smem:$0x3F97] =	sst s1;
	(tag) =	ssettag s2;
	_ =	strace s9  }
0x27: {  	s1 =	sld [smem:$0x3FA7]  }
0x28: {  	s2 =	sld [smem:$0x3FA8]  }
0x29: {  	s4 =	sld [smem:$0x3FAA]  }
0x2a: {  	p0 =	seq.s32 s5, $0x0;
	s5 =	sld [smem:$0x3FAB]  }
0x2b: {  	s6 =	sld [smem:$0x3FAC]  }
0x2c: {  	s7 =	sld [smem:$0x3FAD]  }
0x2d: {  	s3 =	simm.s32 $0x108;
	s8 =	sld [smem:$0x3FAE]  }
0x2e: {  	s3 =	simm.s32 @!p0 $0x1082;
	s9 =	sld [smem:$0x3FAF]  }
0x2f: {  	lr =	sadd.s32 s0, s3;
	s0 =	sld [smem:$0x3FA6]  }
0x30: {  	s3 =	sld [smem:$0x3FA9]  }
0x31: {  	[smem:$0x3FB2] =	sst s10  }
0x32: {  	s10 =	sld [smem:$0x3FB0];
	_ =	sdelay $0x3  }
0x33: {  	p0 =	seq.s32 s10, $0x1;
	s10 =	sld [smem:$0x3FB2];
	_ =	sdelay $0x3  }
0x34: {  	[smem:$0x3FB2] =	sst s10  }
0x35: {  	s10 =	sld [smem:$0x3FB1];
	_ =	sdelay $0x3  }
0x36: {  	p1 =	seq.s32 s10, $0x1;
	s10 =	sld [smem:$0x3FB2];
	_ =	sdelay $0x3  }
0x37: {  	[smem:$0x3FB2] =	sst s10  }
0x38: {  	s10 =	sld [smem:$0x3FB3]  }
0x39: {  	_ = 	snop;
	(pc) =	sbr.ind lr, $3  }
0x3a: {  	_ = 	snop  }
0x3b: {  	_ = 	snop  }
0x3c: {  	p2 =	seq.s32 s10, $0x1;
	s10 =	sld [smem:$0x3FB2]  }
0x3d: {  	_ =	shalt  }
0x3e: {  	_ =	shalt  }
0x3f: {  	_ =	shalt  }
0x40: {  	_ =	shalt  }
0x41: {  	_ =	shalt  }
0x42: {  	_ =	shalt  }
0x43: {  	_ =	shalt  }
0x44: {  	_ =	shalt  }
0x45: {  	_ =	shalt  }
0x46: {  	_ =	shalt  }
0x47: {  	_ =	shalt  }
0x48: {  	_ =	shalt  }
0x49: {  	_ =	shalt  }
0x4a: {  	_ =	shalt  }
0x4b: {  	_ =	shalt  }
0x4c: {  	_ =	shalt  }
0x4d: {  	_ =	shalt  }
0x4e: {  	_ =	shalt  }
0x4f: {  	_ =	shalt  }
0x50: {  	_ =	shalt  }
0x51: {  	_ =	shalt  }
0x52: {  	_ =	shalt  }
0x53: {  	_ =	shalt  }
0x54: {  	_ =	shalt  }
0x55: {  	_ =	shalt  }
0x56: {  	_ =	shalt  }
0x57: {  	_ =	shalt  }
0x58: {  	_ =	shalt  }
0x59: {  	_ =	shalt  }
0x5a: {  	_ =	shalt  }
0x5b: {  	_ =	shalt  }
0x5c: {  	_ =	shalt  }
0x5d: {  	_ =	shalt  }
0x5e: {  	_ =	shalt  }
0x5f: {  	_ =	shalt  }
0x60: {  	_ =	shalt  }
0x61: {  	_ =	shalt  }
0x62: {  	_ =	shalt  }
0x63: {  	_ =	shalt  }
0x64: {  	_ =	shalt  }
0x65: {  	_ =	shalt  }
0x66: {  	_ =	shalt  }
0x67: {  	_ =	shalt  }
0x68: {  	_ =	shalt  }
0x69: {  	_ =	shalt  }
0x6a: {  	_ =	shalt  }
0x6b: {  	_ =	shalt  }
0x6c: {  	_ =	shalt  }
0x6d: {  	_ =	shalt  }
0x6e: {  	_ =	shalt  }
0x6f: {  	_ =	shalt  }
0x70: {  	_ =	shalt  }
0x71: {  	_ =	shalt  }
0x72: {  	_ =	shalt  }
0x73: {  	_ =	shalt  }
0x74: {  	_ =	shalt  }
0x75: {  	_ =	shalt  }
0x76: {  	_ =	shalt  }
0x77: {  	_ =	shalt  }
0x78: {  	_ =	shalt  }
0x79: {  	_ =	shalt  }
0x7a: {  	_ =	shalt  }
0x7b: {  	_ =	shalt  }
0x7c: {  	_ =	shalt  }
0x7d: {  	_ =	shalt  }
0x7e: {  	_ =	shalt  }
0x7f: {  	_ =	shalt  }
0x80: {  	_ =	shalt  }
0x81: {  	_ =	shalt  }
0x82: {  	_ =	shalt  }
0x83: {  	_ =	shalt  }
0x84: {  	_ =	shalt  }
0x85: {  	_ =	shalt  }
0x86: {  	_ =	shalt  }
0x87: {  	_ =	shalt  }
.Lfunc_end0:
.L_simem_size_0:
called_computation_lowered:
.L_overlay_start_0:
0x88: {  	s2 =	sld [smem:$0x3FD9]  }
0x89: {  	s3 =	sld [smem:$0x3FFE];
	_ =	sdelay $0x1  }
0x8a: {  	s1 =	srdreg.scid  }
0x8b: {  	s0 =	sand.u32 $0x1, s1  }
0x8c: {  	s16 =	sshll.u32 s0, $0xA;
	s2 =	sadd.s32 s3, s2  }
0x8d: {  	s2 =	sadd.s32 s2, s16  }
0x8e: {  	[smem:$0x3FBE] =	sst s2  }
0x8f: {  	_ = 	snop  }
0x90: {  	(tm) =	ssettm $0x1  }
0x91: {  	s17 =	sld [smem:$0x3FFB];
	_ =	sdelay $0x3  }
0x92: {  	_ =	strace s17  }
0x93: {  	s2 =	sld [smem:$0x3FFC];
	_ =	sdelay $0x3  }
0x94: {  	_ =	strace s2  }
0x95: {  	s2 =	sld [smem:$0x3FFD];
	_ =	sdelay $0x3  }
0x96: {  	_ =	strace s2  }
0x97: {  	_ =	strace $0x8FFFFFFF  }
0x98: {  	s18 =	sld [smem:$0x3FDB];
	_ =	sdelay $0x1  }
0x99: {  	s19 =	simm.s32 $_scs_section_size  }
0x9a: {  	s4 =	simm.s32 $_size__tile_overlayer_lowered;
	s5 =	simm.s32 $_tile_overlayer_lowered  }
0x9b: {  	s22 =	simm.s32 $0x1BFF;
	s21 =	sshll.u32 s5, $0x1;
	s2 =	sadd.s32 s19, s18  }
0x9c: {  	s6 =	simm.s32 $0x0;
	s20 =	sshll.u32 s4, $0x1;
	s4 =	sadd.s32 s21, s2  }
0x9d: {  	[timem:s6], [sflag:s22] =	dma.local [hbm:s4], s20  }
0x9e: {  	_ =	swait.ge [sflag:s22], s20  }
0x9f: {  	s3 =	ssub.s32 $0x0, s20;
	[sflag:s22] =	ssyncset.done $0x0  }
0xa0: {  	[sflag:s22] =	ssyncadd.s32 s3;
	_ =	sdelay $0x1  }
0xa1: {  	s23 =	simm.s32 $0x1B8B  }
0xa2: {  	_ =	swait.ge [sflag:s23], $0x1  }
0xa3: {  	[sflag:s23] =	ssyncset.done $0x0  }
0xa4: {  	s25 =	simm.s32 $0x1B8E;
	s24 =	sld [smem:$0x3FFE];
	[sflag:s23] =	ssyncadd.s32 $0xFFFFFFFF  }
0xa5: {  	s26 =	simm.s32 $execute0_lowered;
	[smem:$0x3FD2] =	sst s25  }
0xa6: {  	s4 =	sshll.u32 s26, $0x1;
	_ =	strace $0x80000046;
	[dreg:$0x1] =	wrdreg $0xFFFFFFFF  }
0xa7: {  	s28 =	simm.s32 $_size_execute0_lowered;
	s2 =	sadd.s32 s2, s4;
	[dreg:$0x0] =	wrdreg $0x0  }
0xa8: {  	s4 =	sshll.u32 s28, $0x1;
	[dreg:$0x2] =	wrdreg s2  }
0xa9: {  	[dreg:$0x3] =	wrdreg s4  }
0xaa: {  	[dreg:$0x4] =	wrdreg $0xC0  }
0xab: {  	_ =	task [dreg:s6], $0x5FFFF  }
0xac: {  	[dreg:$0x1] =	wrdreg $0xFFFFFFFF  }
0xad: {  	[dreg:$0x0] =	wrdreg $0x60  }
0xae: {  	[dreg:$0x2] =	wrdreg s24  }
0xaf: {  	[dreg:$0x3] =	wrdreg $0x0  }
0xb0: {  	[dreg:$0x4] =	wrdreg $0x9  }
0xb1: {  	_ =	task.clear_ibuf [dreg:s6], $0x5FFFF;
	_ =	strace $0x90000046  }
0xb2: {  	s29 =	simm.s32 $0x9;
	_ =	strace $0x80000048  }
0xb3: {  	_ =	swait.ge [sflag:s29], $0x1  }
0xb4: {  	[sflag:s29] =	ssyncadd.s32 $0xFFFFFFFF  }
0xb5: {  	_ =	strace $0x90000048  }
0xb6: {  	_ =	sfence  }
0xb7: {  	s30 =	sld [smem:$0x0];
	_ =	sdelay $0x2  }
0xb8: {  	s31 =	sshll.u32 s1, $0xD;
	s1 =	sshrl.u32 s1, $0x2  }
0xb9: {  	s3 =	sand.u32 $0x4000, s31;
	s1 =	sadd.s32 s1, s30  }
0xba: {  	s0 =	sor.u32 s3, s0;
	s1 =	sshll.u32 s1, $0x11  }
0xbb: {  	s0 =	sor.u32 s1, s0  }
0xbc: {  	s0 =	sadd.s32 $0x8F2B, s0  }
0xbd: {  	[sflag:s0] =	ssyncadd.remote.s32 $0x1  }
0xbe: {  	_ =	sfence.sel $0xFFFF  }
0xbf: {  	[dreg:$0x0] =	wrdreg $0xFFFFFFFF;
	(pc) =	sbr.abs _section_cstart, $3  }
0xc0: {  	[dreg:$0x1] =	wrdreg $0xFFFFFFFF  }
0xc1: {  	_ =	task.clear_ibuf [dreg:s6], $0x2FFFF;
	_ =	strace $0x9FFFFFFF  }
0xc2: {  	(tm) =	ssettm $0x7FFFFFFF  }
0xc3: {  	_ =	shalt  }
tec
execute0_lowered:
.L_overlay_start_1:
0x0: {  	(tag) =	ssettag $0x1  }
0x1: {  	s1 =	srdreg.scid;
	s6 =	rddreg [dreg:$0x0]  }
0x2: {  	s0 =	stileid.u32;
	s2 =	rddreg [dreg:$0x1]  }
0x3: {  	s3 =	simm.s32 $0x0;
	s21 =	simm.s32 $0x80;
	s22 =	simm.s32 $0x0  }
0x4: {  	s5 =	sand.u32 $0x1, s1;
	s9 =	smul.u32 $0x280, s0;
	s1 =	rddreg [dreg:$0x2]  }
0x5: {  	[smem:$0x7FF] =	sst s3;
	s4 =	sadd.s32 $0x7A00, s6;
	s8 =	smul.u32 $0x50000, s0  }
0x6: {  	s15 =	sadd.s32 $0x8200, s6;
	s13 =	smul.u32 $0x2800, s5;
	s7 =	ssub.s32 $0x2, s5  }
0x7: {  	_ =	strace $0x80000047;
	s5 =	sadd.s32 $0x7200, s6;
	s23 =	sshrl.u32 s7, $0x1  }
0x8: {  	s24 =	sshrl.u32 s8, $0x2;
	s10 =	sadd.s32 $0x80, s9;
	s14 =	sadd.s32 $0x100, s9  }
0x9: {  	s18 =	sadd.s32 $0x180, s9;
	s19 =	sadd.s32 $0x200, s9;
	s11 =	sadd.s32 s9, s13  }
0xa: {  	s16 =	ssub.s32 s7, s23;
	s25 =	sshll.u32 s10, $0x7;
	s26 =	sshll.u32 s14, $0x7  }
0xb: {  	s12 =	sshll.u32 s18, $0x7;
	s28 =	sshll.u32 s19, $0x7;
	s20 =	sadd.s32 s13, s10  }
0xc: {  	s14 =	sadd.s32 s13, s14;
	s18 =	sadd.s32 s13, s18;
	s19 =	sadd.s32 s13, s19  }
0xd: {  	s17 =	sadd.s32 s11, s6;
	s6 =	sadd.s32 s24, s2;
	s7 =	sadd.s32 s25, s2  }
0xe: {  	s8 =	sadd.s32 s26, s2;
	s9 =	sadd.s32 s12, s2;
	s10 =	sadd.s32 s28, s2  }
0xf: {  	s11 =	sshll.u32 s11, $0x4;
	s29 =	sshll.u32 s20, $0x4;
	s14 =	sshll.u32 s14, $0x4  }
0x10: {  	s30 =	sshll.u32 s18, $0x4;
	s31 =	sshll.u32 s19, $0x4;
	s16 =	smax.u32 s16, $0x1  }
0x11: {  	s18 =	simm.s32 $0x14080;
	s19 =	simm.s32 $0x1;
	s20 =	simm.s32 $0x14000  }
0x12: {  	s11 =	sadd.s32 s15, s11;
	s12 =	sadd.s32 s15, s29;
	s13 =	sadd.s32 s15, s14  }
0x13: {  	s14 =	sadd.s32 s15, s30;
	s15 =	sadd.s32 s15, s31;
	s17 =	sadd.s32 $0x2200, s17  }
.LBB2_1:
0x14: {  	[tilespmem:s18], [sflag:$0x1] =	stream.linear.gather [hbm4b:s5+s3], $0x4000, $0x38;
	[tilespmem:$0x18080] =	vst v63  }
0x15: {  	_ =	swait.ge [sflag:s19], $0x4000  }
0x16: {  	[sflag:s19] =	ssyncset.done $0x0  }
0x17: {  	[sflag:s19] =	ssyncadd.s32 $0xFFFFC000  }
0x18: {  	[spmem:s6] =	stream.linear.scatter [tilespmem:s18], [sflag:$0x1], $0x4000, $0x38;
	[tilespmem:$0x18080] =	vst v63  }
0x19: {  	_ =	swait.ge [sflag:s19], $0x4000  }
0x1a: {  	[sflag:s19] =	ssyncset.done $0x0  }
0x1b: {  	[sflag:s19] =	ssyncadd.s32 $0xFFFFC000  }
0x1c: {  	[spmem:s7] =	stream.linear.scatter [tilespmem:s18], [sflag:$0x1], $0x4000, $0x38;
	[tilespmem:$0x18080] =	vst v63  }
0x1d: {  	_ =	swait.ge [sflag:s19], $0x4000  }
0x1e: {  	[sflag:s19] =	ssyncset.done $0x0  }
0x1f: {  	[sflag:s19] =	ssyncadd.s32 $0xFFFFC000  }
0x20: {  	[spmem:s8] =	stream.linear.scatter [tilespmem:s18], [sflag:$0x1], $0x4000, $0x38;
	[tilespmem:$0x18080] =	vst v63  }
0x21: {  	_ =	swait.ge [sflag:s19], $0x4000  }
0x22: {  	[sflag:s19] =	ssyncset.done $0x0  }
0x23: {  	[sflag:s19] =	ssyncadd.s32 $0xFFFFC000  }
0x24: {  	[spmem:s9] =	stream.linear.scatter [tilespmem:s18], [sflag:$0x1], $0x4000, $0x38;
	[tilespmem:$0x18080] =	vst v63  }
0x25: {  	_ =	swait.ge [sflag:s19], $0x4000  }
0x26: {  	[sflag:s19] =	ssyncset.done $0x0  }
0x27: {  	[sflag:s19] =	ssyncadd.s32 $0xFFFFC000  }
0x28: {  	[spmem:s10] =	stream.linear.scatter [tilespmem:s18], [sflag:$0x1], $0x4000, $0x38;
	[tilespmem:$0x18080] =	vst v63  }
0x29: {  	_ =	swait.ge [sflag:s19], $0x4000  }
0x2a: {  	[sflag:s19] =	ssyncset.done $0x0  }
0x2b: {  	[sflag:s19] =	ssyncadd.s32 $0xFFFFC000  }
0x2c: {  	[tilespmem:s18], [sflag:$0x1] =	stream.linear.gather [hbm4b:s4+s3], $0x4000, $0x38;
	[tilespmem:$0x18080] =	vst v63  }
0x2d: {  	_ =	swait.ge [sflag:s19], $0x4000  }
0x2e: {  	[sflag:s19] =	ssyncset.done $0x0  }
0x2f: {  	[sflag:s19] =	ssyncadd.s32 $0xFFFFC000  }
0x30: {  	s23 =	sadd.s32 $0x0, s17;
	[bflag:$0x0] =	sbarrier.arrive $0xFFFF  }
0x31: {  	[tilespmem:s20], [sflag:$0x1] =	stream.linear.gather [hbm4b:s23+s3], $0x80, $0x38;
	[tilespmem:$0x18080] =	vst v63  }
0x32: {  	_ =	swait.ge [sflag:s19], $0x80  }
0x33: {  	[sflag:s19] =	ssyncset.done $0x0  }
0x34: {  	[sflag:s19] =	ssyncadd.s32 $0xFFFFFF80  }
0x35: {  	[spmem:s2] =	stream.indirect.scatter.add.f32 [tilespmem:s18], [sflag:$0x1], $0x80, s20, s21, $0xb8;
	[tilespmem:$0x18080] =	vst v63  }
0x36: {  	_ =	swait.ge [sflag:s19], $0x4000  }
0x37: {  	s24 =	simm.s32 $0x20;
	s23 =	simm.s32 $0x10;
	[sflag:s19] =	ssyncset.done $0x0  }
.LBB2_2:
0x38: {  	s25 =	sadd.s32 s23, s17  }
0x39: {  	[sflag:s19] =	ssyncadd.s32 $0xFFFFC000;
	s23 =	smov.u32 s24;
	s26 =	sadd.s32 $0x10, s24  }
0x3a: {  	[tilespmem:s20], [sflag:$0x1] =	stream.linear.gather [hbm4b:s25+s3], $0x80, $0x38;
	[tilespmem:$0x18080] =	vst v63  }
0x3b: {  	p0 =	sne.s32 s24, $0x270;
	_ =	swait.ge [sflag:s19], $0x80  }
.Ltmp0:
0x3c: {  	[sflag:s19] =	ssyncset.done $0x0;
	(pc) =	sbr.rel @p0 .LBB2_2-.Ltmp0, $4  }
0x3d: {  	[sflag:s19] =	ssyncadd.s32 $0xFFFFFF80  }
0x3e: {  	[spmem:s2] =	stream.indirect.scatter.add.f32 [tilespmem:s18], [sflag:$0x1], $0x80, s20, s21, $0xb8;
	[tilespmem:$0x18080] =	vst v63  }
0x3f: {  	_ =	swait.ge [sflag:s19], $0x4000  }
0x40: {  	s24 =	smov.u32 s26;
	[sflag:s19] =	ssyncset.done $0x0  }
0x41: {  	s23 =	sadd.s32 s23, s17;
	[sflag:s19] =	ssyncadd.s32 $0xFFFFC000  }
0x42: {  	[tilespmem:s20], [sflag:$0x1] =	stream.linear.gather [hbm4b:s23+s3], $0x80, $0x38;
	[tilespmem:$0x18080] =	vst v63  }
0x43: {  	_ =	swait.ge [sflag:s19], $0x80  }
0x44: {  	[sflag:s19] =	ssyncset.done $0x0  }
0x45: {  	[sflag:s19] =	ssyncadd.s32 $0xFFFFFF80  }
0x46: {  	[spmem:s2] =	stream.indirect.scatter.add.f32 [tilespmem:s18], [sflag:$0x1], $0x80, s20, s21, $0xb8;
	[tilespmem:$0x18080] =	vst v63  }
0x47: {  	_ =	swait.ge [sflag:s19], $0x4000  }
0x48: {  	[sflag:s19] =	ssyncset.done $0x0  }
0x49: {  	s26 =	sshll.u32 s0, $0x6;
	[sflag:s19] =	ssyncadd.s32 $0xFFFFC000  }
0x4a: {  	s24 =	sshrl.u32 s6, $0x3;
	s23 =	sor.u32 $0x1C01, s26;
	[bflag:$0x0] =	sbarrier.arrive $0xFFFF  }
0x4b: {  	[hbm:s11], [sflag:s23] =	dma.local [spmem:s24], $0x800  }
0x4c: {  	_ =	swait.ge [sflag:s19], $0x800  }
0x4d: {  	[sflag:s19] =	ssyncset.done $0x0  }
0x4e: {  	s28 =	sshrl.u32 s7, $0x3;
	[sflag:s19] =	ssyncadd.s32 $0xFFFFF800  }
0x4f: {  	[hbm:s12], [sflag:s23] =	dma.local [spmem:s28], $0x800  }
0x50: {  	_ =	swait.ge [sflag:s19], $0x800  }
0x51: {  	[sflag:s19] =	ssyncset.done $0x0  }
0x52: {  	s29 =	sshrl.u32 s8, $0x3;
	[sflag:s19] =	ssyncadd.s32 $0xFFFFF800  }
0x53: {  	[hbm:s13], [sflag:s23] =	dma.local [spmem:s29], $0x800  }
0x54: {  	_ =	swait.ge [sflag:s19], $0x800  }
0x55: {  	[sflag:s19] =	ssyncset.done $0x0  }
0x56: {  	s30 =	sshrl.u32 s9, $0x3;
	[sflag:s19] =	ssyncadd.s32 $0xFFFFF800  }
0x57: {  	[hbm:s14], [sflag:s23] =	dma.local [spmem:s30], $0x800  }
0x58: {  	s22 =	sadd.s32 $0x1, s22;
	_ =	swait.ge [sflag:s19], $0x800  }
0x59: {  	p0 =	sne.s32 s22, s16;
	[sflag:s19] =	ssyncset.done $0x0  }
.Ltmp1:
0x5a: {  	s31 =	sshrl.u32 s10, $0x3;
	[sflag:s19] =	ssyncadd.s32 $0xFFFFF800;
	(pc) =	sbr.rel @p0 .LBB2_1-.Ltmp1, $4  }
0x5b: {  	[hbm:s15], [sflag:s23] =	dma.local [spmem:s31], $0x800  }
0x5c: {  	_ =	swait.ge [sflag:s19], $0x800  }
0x5d: {  	[sflag:s19] =	ssyncset.done $0x0  }
0x5e: {  	[sflag:s19] =	ssyncadd.s32 $0xFFFFF800  }
0x5f: {  	_ =	sfence.sel $0x180000  }
0x60: {  	[bflag:$0x0] =	sbarrier.arrive $0xFFFF  }
0x61: {  	p0 =	sne.s32 s0, $0x0;
	_ =	strace $0x90000047  }
0x62: {  	s0 =	sadd.s32 @!p0 $0x100000, s1;
	[bflag:$0x2] =	sbarrier.arrive $0xFFFF  }
0x63: {  	[sflag:s0] =	ssyncadd.tile.s32 @!p0 $0x1;
	_ =	shalt  }
.Lfunc_end2:
_tile_overlayer_lowered:
.L_overlay_start_2:
0x64: {  	(tag) =	ssettag $0x2  }
0x65: {  	s0 =	rddreg [dreg:$0x0];
	s2 =	stileid.u32  }
0x66: {  	s1 =	rddreg [dreg:$0x1];
	p0 =	sne.s32 s2, $0x0  }
0x67: {  	s3 =	rddreg [dreg:$0x2];
	[bflag:$0x3] =	sbarrier.arrive $0xFFFF;
	s2 =	simm.s32 @!p0 $0x1C01  }
0x68: {  	[timem:s3], [sflag:s2] =	dma.local @!p0 [hbm:s0], s1  }
0x69: {  	s0 =	simm.s32 @!p0 $0x1  }
0x6a: {  	_ =	swait.ge @!p0 [sflag:s0], s1  }
0x6b: {  	s1 =	ssub.s32 @!p0 $0x0, s1;
	[sflag:s0] =	ssyncset.done @!p0 $0x0  }
0x6c: {  	[sflag:s0] =	ssyncadd.s32 @!p0 s1  }
0x6d: {  	[bflag:$0x3] =	sbarrier.arrive $0xFFFF  }
0x6e: {  	_ =	shalt  }

</sc_bundles>
